<compile_context>
chip_gen: v7x
topology: tpu7x:2x2x1
jax: 0.10.2.dev20260603
libtpu: 0.0.44.dev20260713+nightly
codegen_flags: <defaults>
</compile_context>

<pallas_src>
import functools

import jax
import jax.numpy as jnp
from jax import lax
from jax.experimental import pallas as pl
from jax.experimental.pallas import tpu as pltpu
from jax.experimental.pallas import tpu_sc as plsc

B, T, IN, H = 64, 128, 1024, 4096
SRC = H + IN
BLK = 8192
L = 16


def _rnn_body(nblk, xp_hbm, stream_hbm, bias_hbm, out_hbm,
              srcp, acc0, acc1, biasv, blkb, sem0, sem1):
    c = lax.axis_index("c")
    s = lax.axis_index("s")
    wid = s * 2 + c
    b0 = wid * 2
    b1 = b0 + 1
    sems = (sem0, sem1)

    pltpu.sync_copy(bias_hbm, biasv)

    @plsc.parallel_loop(0, H // L, unroll=4)
    def zinit(i):
        srcp[pl.ds(i * L, L)] = jnp.zeros((L,), jnp.int32)

    def start_blk(bi, slot):
        pltpu.async_copy(stream_hbm.at[bi], blkb.at[slot], sems[slot])

    def wait_blk(bi, slot):
        pltpu.make_async_copy(stream_hbm.at[bi], blkb.at[slot],
                              sems[slot]).wait()

    def step(t, carry):
        start_blk(0, 0)
        start_blk(1, 1)
        pltpu.sync_copy(xp_hbm.at[wid, t], srcp.at[pl.ds(H, IN)])

        @plsc.parallel_loop(0, H // L, unroll=4)
        def binit(i):
            bv = biasv[pl.ds(i * L, L)]
            acc0[pl.ds(i * L, L)] = bv
            acc1[pl.ds(i * L, L)] = bv

        def pair(g, cc):
            for slot in range(2):
                bi = g * 2 + slot
                wait_blk(bi, slot)

                @plsc.parallel_loop(0, BLK // L, unroll=16)
                def inner(i):
                    pw = blkb[slot, 0, pl.ds(i * L, L)]
                    vv = plsc.bitcast(blkb[slot, 1, pl.ds(i * L, L)],
                                      jnp.float32)
                    colsv = jnp.bitwise_and(pw, 8191)
                    rowsv = jnp.right_shift(pw, 13)
                    gp = plsc.load_gather(srcp, [colsv])
                    g0, g1 = plsc.unpack(
                        plsc.bitcast(gp, jnp.bfloat16),
                        format=plsc.PackFormat.INTERLEAVED)
                    plsc.addupdate_scatter(acc0, [rowsv], g0 * vv)
                    plsc.addupdate_scatter(acc1, [rowsv], g1 * vv)

                @pl.when(bi + 2 < nblk)
                def _():
                    start_blk(bi + 2, slot)
            return cc

        lax.fori_loop(0, nblk // 2, pair, 0)

        @plsc.parallel_loop(0, H // L, unroll=4)
        def finish(i):
            sl = pl.ds(i * L, L)
            z0 = acc0[sl]
            e0 = jnp.exp(z0 + z0)
            h0 = 1.0 - 2.0 / (e0 + 1.0)
            z1 = acc1[sl]
            e1 = jnp.exp(z1 + z1)
            h1 = 1.0 - 2.0 / (e1 + 1.0)
            acc0[sl] = h0
            acc1[sl] = h1
            hp = plsc.pack(h0, h1, format=plsc.PackFormat.INTERLEAVED)
            srcp[sl] = plsc.bitcast(hp, jnp.int32)

        pltpu.sync_copy(acc0, out_hbm.at[b0, t])
        pltpu.sync_copy(acc1, out_hbm.at[b1, t])
        return carry

    lax.fori_loop(0, T, step, 0)


def kernel(x, idx_hh, values_hh, idx_ih, values_ih, bias_hh):
    packed_hh = idx_hh[0] * 8192 + idx_hh[1]
    packed_ih = idx_ih[0] * 8192 + (idx_ih[1] + H)
    packed = jnp.concatenate([packed_hh, packed_ih])
    vals = jnp.concatenate([values_hh, values_ih])
    nnz = packed.shape[0]

    nblk = (nnz + BLK - 1) // BLK
    if nblk % 2:
        nblk += 1
    pad = nblk * BLK - nnz
    packed = jnp.pad(packed, (0, pad))
    vals = jnp.pad(vals, (0, pad))
    valbits = jax.lax.bitcast_convert_type(vals, jnp.int32)
    stream = jnp.stack([packed.reshape(nblk, BLK),
                        valbits.reshape(nblk, BLK)], axis=1)
    bias = bias_hh[:, 0]

    xb = x.astype(jnp.bfloat16)
    xu = jax.lax.bitcast_convert_type(xb, jnp.uint16).astype(jnp.uint32)
    xp = jax.lax.bitcast_convert_type(
        xu[0::2] | (xu[1::2] << 16), jnp.int32)

    mesh = plsc.VectorSubcoreMesh(core_axis_name="c", subcore_axis_name="s")
    run = pl.kernel(
        functools.partial(_rnn_body, nblk),
        out_type=jax.ShapeDtypeStruct((B, T, H), jnp.float32),
        mesh=mesh,
        compiler_params=pltpu.CompilerParams(needs_layout_passes=False),
        scratch_types=[
            pltpu.VMEM((SRC,), jnp.int32),
            pltpu.VMEM((H,), jnp.float32),
            pltpu.VMEM((H,), jnp.float32),
            pltpu.VMEM((H,), jnp.float32),
            pltpu.VMEM((2, 2, BLK), jnp.int32),
            pltpu.SemaphoreType.DMA,
            pltpu.SemaphoreType.DMA,
        ],
    )
    return run(xp, stream, bias)

# --- scband reference (transcript-rebuilt; emitter-appended) ---
"""Pipeline reference for scband-sparse-rnn-58171037057791 (READ-ONLY COPY).

The authoritative reference and input builder live on the scoring server;
editing this copy changes nothing except your own understanding.
"""

import jax, jax.numpy as jnp
import numpy as np

B, T, IN, H = 64, 128, 1024, 4096
NNZ_HH, NNZ_IH = 167772, 41943


def setup_inputs(seed: int = 0) -> dict:
    key = jax.random.key(seed)
    ks = jax.random.split(key, 8)
    x = jax.random.normal(ks[0], (B, T, IN), dtype=jnp.float32)
    hh_rows = jax.random.randint(ks[1], (NNZ_HH,), 0, H, dtype=jnp.int32)
    hh_cols = jax.random.randint(ks[2], (NNZ_HH,), 0, H, dtype=jnp.int32)
    idx_hh = jnp.stack([hh_rows, hh_cols], axis=0)
    values_hh = jax.random.normal(ks[3], (NNZ_HH,), dtype=jnp.float32) * (1.0 / np.sqrt(H * 0.01))
    ih_rows = jax.random.randint(ks[4], (NNZ_IH,), 0, H, dtype=jnp.int32)
    ih_cols = jax.random.randint(ks[5], (NNZ_IH,), 0, IN, dtype=jnp.int32)
    idx_ih = jnp.stack([ih_rows, ih_cols], axis=0)
    values_ih = jax.random.normal(ks[6], (NNZ_IH,), dtype=jnp.float32) * (1.0 / np.sqrt(IN * 0.01))
    bias_hh = jnp.zeros((H, 1), dtype=jnp.float32)
    return {"x": x, "idx_hh": idx_hh, "values_hh": values_hh,
            "idx_ih": idx_ih, "values_ih": values_ih, "bias_hh": bias_hh}


def _spmm(idx, vals, n_rows, x):
    # sparse (n_rows, n_cols) @ dense (n_cols, B) via gather + segment-sum
    gathered = jnp.take(x, idx[1], axis=0) * vals[:, None]
    return jax.ops.segment_sum(gathered, idx[0], num_segments=n_rows)


def reference(x, idx_hh, values_hh, idx_ih, values_ih, bias_hh):
    # x: (B, T, IN), batch_first=True. SparseLinear uses feature_dim=0, so
    # each timestep is processed as (features, batch).
    xt = jnp.transpose(x, (1, 2, 0))  # (T, IN, B)

    def step(h, x_t):
        ih_out = _spmm(idx_ih, values_ih, H, x_t)          # (H, B)
        hh_out = _spmm(idx_hh, values_hh, H, h) + bias_hh  # (H, B)
        h_new = jnp.tanh(ih_out + hh_out).astype(h.dtype)
        return h_new, h_new

    h0 = jnp.zeros((H, B), dtype=jnp.float32)
    _, hs = jax.lax.scan(step, h0, xt)       # (T, H, B)
    out = jnp.transpose(hs, (2, 0, 1))       # (B, T, H)
    return out

if __name__ == "__main__":
    import jax
    _d = setup_inputs()
    print(jax.jit(kernel)(*tuple(_d.values())))

</pallas_src>

<mosaic_0001>
#map = affine_map<(d0, d1) -> (0, 0, 0)>
#map1 = affine_map<(d0, d1) -> (0)>
module attributes {stable_mosaic.version = 14 : i64} {
  func.func @_rnn_body(%arg0: i32, %arg1: i32, %arg2: memref<32x128x1024xi32, #tpu.memory_space<hbm>>, %arg3: memref<26x2x8192xi32, #tpu.memory_space<hbm>>, %arg4: memref<4096xf32, #tpu.memory_space<hbm>>, %arg5: memref<64x128x4096xf32, #tpu.memory_space<hbm>>, %arg6: memref<5120xi32, #tpu.memory_space<vmem>>, %arg7: memref<4096xf32, #tpu.memory_space<vmem>>, %arg8: memref<4096xf32, #tpu.memory_space<vmem>>, %arg9: memref<4096xf32, #tpu.memory_space<vmem>>, %arg10: memref<2x2x8192xi32, #tpu.memory_space<vmem>>, %arg11: memref<!tpu.dma_semaphore, #tpu.memory_space<semaphore_mem>>, %arg12: memref<!tpu.dma_semaphore, #tpu.memory_space<semaphore_mem>>) attributes {dimension_semantics = [#tpu.dimension_semantics<core_parallel>, #tpu.dimension_semantics<subcore_parallel>], iteration_bounds = array<i64: 2, 16>, scalar_prefetch = 0 : i64, scratch_operands = 7 : i64, tpu.core_type = #tpu.core_type<sc_vector_subcore>, window_params = [{transform_indices = #map}, {transform_indices = #map}, {transform_indices = #map1}, {transform_indices = #map}]} {
    %mul3A = arith.constant 2 : i32
    %mul3A_0 = arith.muli %arg1, %mul3A : i32
    %add3A = arith.addi %mul3A_0, %arg0 : i32
    %mul3A_1 = arith.constant 2 : i32
    %mul3A_2 = arith.muli %add3A, %mul3A_1 : i32
    %add3A_3 = arith.constant 1 : i32
    %add3A_4 = arith.addi %mul3A_2, %add3A_3 : i32
    "tpu.region"() ({
      %run_scoped3A = tpu.sem_alloc : memref<!tpu.dma_semaphore, #tpu.memory_space<semaphore_mem>>
      tpu.enqueue_dma source(%arg4 : memref<4096xf32, #tpu.memory_space<hbm>>) target(%arg9 : memref<4096xf32, #tpu.memory_space<vmem>>) target_semaphore(%run_scoped3A : memref<!tpu.dma_semaphore, #tpu.memory_space<semaphore_mem>>)
      tpu.wait_dma2 semaphore(%run_scoped3A : memref<!tpu.dma_semaphore, #tpu.memory_space<semaphore_mem>>) src(%arg4 : memref<4096xf32, #tpu.memory_space<hbm>>) dst(%arg9 : memref<4096xf32, #tpu.memory_space<vmem>>)
      tpu.yield
    }) : () -> ()
    %parallel_loop3A = arith.constant 0 : i32
    %parallel_loop3A_5 = arith.constant 256 : i32
    %parallel_loop3A_6 = arith.constant 1 : i32
    scf.for %parallel_loop3A_12 = %parallel_loop3A to %parallel_loop3A_5 step %parallel_loop3A_6  : i32 {
      %parallel_loop3A_13 = arith.constant 0 : i32
      %parallel_loop3A_14 = vector.broadcast %parallel_loop3A_13 : i32 to vector<16xi32>
      %parallel_loop3A_15 = arith.constant 16 : i32
      %parallel_loop3A_16 = arith.muli %parallel_loop3A_12, %parallel_loop3A_15 : i32
      %parallel_loop3A_17 = arith.index_cast %parallel_loop3A_16 : i32 to index
      %parallel_loop3A_18 = tpu.vector_load %arg6[%parallel_loop3A_17] {strides = array<i32>} : memref<5120xi32, #tpu.memory_space<vmem>>, vector<16xi32>,
      tpu.vector_store %arg6[%parallel_loop3A_17], %parallel_loop3A_14 {strides = array<i32>} : memref<5120xi32, #tpu.memory_space<vmem>>, vector<16xi32>,
    } {sc.loop_unroll_factor = 4 : i64, sc.parallel_access}
    %scan3A = arith.constant 0 : i32
    %scan3A_7 = arith.constant 0 : i32
    %scan3A_8 = arith.constant 128 : i32
    %scan3A_9 = arith.addi %scan3A_7, %scan3A_8 : i32
    %scan3A_10 = arith.constant 1 : i32
    scf.for %scan3A_12 = %scan3A_7 to %scan3A_9 step %scan3A_10  : i32 {
      %dma_start3A = arith.constant 0 : i32
      %dma_start3A_13 = arith.constant 0 : i32
      %dma_start3A_14 = arith.constant 0 : i32
      %dma_start3A_15 = arith.constant 0 : i32
      %dma_start3A_16 = tpu.memref_slice %arg10[%dma_start3A_13, %dma_start3A_14, %dma_start3A_15] : memref<2x2x8192xi32, #tpu.memory_space<vmem>> -> memref<1x2x8192xi32, #tpu.memory_space<vmem>>
      %dma_start3A_17 = tpu.memref_squeeze %dma_start3A_16 : memref<1x2x8192xi32, #tpu.memory_space<vmem>> -> memref<2x8192xi32, #tpu.memory_space<vmem>>
      %dma_start3A_18 = arith.constant 0 : i32
      %dma_start3A_19 = arith.constant 0 : i32
      %dma_start3A_20 = tpu.memref_slice %arg3[%dma_start3A, %dma_start3A_18, %dma_start3A_19] : memref<26x2x8192xi32, #tpu.memory_space<hbm>> -> memref<1x2x8192xi32, #tpu.memory_space<hbm>>
      %dma_start3A_21 = tpu.memref_squeeze %dma_start3A_20 : memref<1x2x8192xi32, #tpu.memory_space<hbm>> -> memref<2x8192xi32, #tpu.memory_space<hbm>>
      %dma_start3A_22 = arith.constant 0 : i32
      %dma_start3A_23 = arith.constant 0 : i32
      %dma_start3A_24 = tpu.memref_slice %arg10[%dma_start3A_13, %dma_start3A_22, %dma_start3A_23] : memref<2x2x8192xi32, #tpu.memory_space<vmem>> -> memref<1x2x8192xi32, #tpu.memory_space<vmem>>
      %dma_start3A_25 = tpu.memref_squeeze %dma_start3A_24 : memref<1x2x8192xi32, #tpu.memory_space<vmem>> -> memref<2x8192xi32, #tpu.memory_space<vmem>>
      %dma_start3A_26 = arith.constant 0 : i32
      %dma_start3A_27 = arith.constant 0 : i32
      %dma_start3A_28 = tpu.memref_slice %arg3[%dma_start3A, %dma_start3A_26, %dma_start3A_27] : memref<26x2x8192xi32, #tpu.memory_space<hbm>> -> memref<1x2x8192xi32, #tpu.memory_space<hbm>>
      %dma_start3A_29 = tpu.memref_squeeze %dma_start3A_28 : memref<1x2x8192xi32, #tpu.memory_space<hbm>> -> memref<2x8192xi32, #tpu.memory_space<hbm>>
      tpu.enqueue_dma source(%dma_start3A_29 : memref<2x8192xi32, #tpu.memory_space<hbm>>) target(%dma_start3A_25 : memref<2x8192xi32, #tpu.memory_space<vmem>>) target_semaphore(%arg11 : memref<!tpu.dma_semaphore, #tpu.memory_space<semaphore_mem>>)
      %dma_start3A_30 = arith.constant 1 : i32
      %dma_start3A_31 = arith.constant 1 : i32
      %dma_start3A_32 = arith.constant 0 : i32
      %dma_start3A_33 = arith.constant 0 : i32
      %dma_start3A_34 = tpu.memref_slice %arg10[%dma_start3A_31, %dma_start3A_32, %dma_start3A_33] : memref<2x2x8192xi32, #tpu.memory_space<vmem>> -> memref<1x2x8192xi32, #tpu.memory_space<vmem>>
      %dma_start3A_35 = tpu.memref_squeeze %dma_start3A_34 : memref<1x2x8192xi32, #tpu.memory_space<vmem>> -> memref<2x8192xi32, #tpu.memory_space<vmem>>
      %dma_start3A_36 = arith.constant 0 : i32
      %dma_start3A_37 = arith.constant 0 : i32
      %dma_start3A_38 = tpu.memref_slice %arg3[%dma_start3A_30, %dma_start3A_36, %dma_start3A_37] : memref<26x2x8192xi32, #tpu.memory_space<hbm>> -> memref<1x2x8192xi32, #tpu.memory_space<hbm>>
      %dma_start3A_39 = tpu.memref_squeeze %dma_start3A_38 : memref<1x2x8192xi32, #tpu.memory_space<hbm>> -> memref<2x8192xi32, #tpu.memory_space<hbm>>
      %dma_start3A_40 = arith.constant 0 : i32
      %dma_start3A_41 = arith.constant 0 : i32
      %dma_start3A_42 = tpu.memref_slice %arg10[%dma_start3A_31, %dma_start3A_40, %dma_start3A_41] : memref<2x2x8192xi32, #tpu.memory_space<vmem>> -> memref<1x2x8192xi32, #tpu.memory_space<vmem>>
      %dma_start3A_43 = tpu.memref_squeeze %dma_start3A_42 : memref<1x2x8192xi32, #tpu.memory_space<vmem>> -> memref<2x8192xi32, #tpu.memory_space<vmem>>
      %dma_start3A_44 = arith.constant 0 : i32
      %dma_start3A_45 = arith.constant 0 : i32
      %dma_start3A_46 = tpu.memref_slice %arg3[%dma_start3A_30, %dma_start3A_44, %dma_start3A_45] : memref<26x2x8192xi32, #tpu.memory_space<hbm>> -> memref<1x2x8192xi32, #tpu.memory_space<hbm>>
      %dma_start3A_47 = tpu.memref_squeeze %dma_start3A_46 : memref<1x2x8192xi32, #tpu.memory_space<hbm>> -> memref<2x8192xi32, #tpu.memory_space<hbm>>
      tpu.enqueue_dma source(%dma_start3A_47 : memref<2x8192xi32, #tpu.memory_space<hbm>>) target(%dma_start3A_43 : memref<2x8192xi32, #tpu.memory_space<vmem>>) target_semaphore(%arg12 : memref<!tpu.dma_semaphore, #tpu.memory_space<semaphore_mem>>)
      "tpu.region"() ({
        %run_scoped3A = tpu.sem_alloc : memref<!tpu.dma_semaphore, #tpu.memory_space<semaphore_mem>>
        %dma_start3A_60 = arith.constant 4096 : i32
        %dma_start3A_61 = tpu.memref_slice %arg6[%dma_start3A_60] : memref<5120xi32, #tpu.memory_space<vmem>> -> memref<1024xi32, #tpu.memory_space<vmem>>
        %dma_start3A_62 = arith.constant 0 : i32
        %dma_start3A_63 = tpu.memref_slice %arg2[%add3A, %scan3A_12, %dma_start3A_62] : memref<32x128x1024xi32, #tpu.memory_space<hbm>> -> memref<1x1x1024xi32, #tpu.memory_space<hbm>>
        %dma_start3A_64 = tpu.memref_squeeze %dma_start3A_63 : memref<1x1x1024xi32, #tpu.memory_space<hbm>> -> memref<1024xi32, #tpu.memory_space<hbm>>
        %dma_start3A_65 = arith.constant 4096 : i32
        %dma_start3A_66 = tpu.memref_slice %arg6[%dma_start3A_65] : memref<5120xi32, #tpu.memory_space<vmem>> -> memref<1024xi32, #tpu.memory_space<vmem>>
        %dma_start3A_67 = arith.constant 0 : i32
        %dma_start3A_68 = tpu.memref_slice %arg2[%add3A, %scan3A_12, %dma_start3A_67] : memref<32x128x1024xi32, #tpu.memory_space<hbm>> -> memref<1x1x1024xi32, #tpu.memory_space<hbm>>
        %dma_start3A_69 = tpu.memref_squeeze %dma_start3A_68 : memref<1x1x1024xi32, #tpu.memory_space<hbm>> -> memref<1024xi32, #tpu.memory_space<hbm>>
        tpu.enqueue_dma source(%dma_start3A_69 : memref<1024xi32, #tpu.memory_space<hbm>>) target(%dma_start3A_66 : memref<1024xi32, #tpu.memory_space<vmem>>) target_semaphore(%run_scoped3A : memref<!tpu.dma_semaphore, #tpu.memory_space<semaphore_mem>>)
        %dma_wait3A = arith.constant 4096 : i32
        %dma_wait3A_70 = tpu.memref_slice %arg6[%dma_wait3A] : memref<5120xi32, #tpu.memory_space<vmem>> -> memref<1024xi32, #tpu.memory_space<vmem>>
        %dma_wait3A_71 = arith.constant 0 : i32
        %dma_wait3A_72 = tpu.memref_slice %arg2[%add3A, %scan3A_12, %dma_wait3A_71] : memref<32x128x1024xi32, #tpu.memory_space<hbm>> -> memref<1x1x1024xi32, #tpu.memory_space<hbm>>
        %dma_wait3A_73 = tpu.memref_squeeze %dma_wait3A_72 : memref<1x1x1024xi32, #tpu.memory_space<hbm>> -> memref<1024xi32, #tpu.memory_space<hbm>>
        %dma_wait3A_74 = arith.constant 4096 : i32
        %dma_wait3A_75 = tpu.memref_slice %arg6[%dma_wait3A_74] : memref<5120xi32, #tpu.memory_space<vmem>> -> memref<1024xi32, #tpu.memory_space<vmem>>
        %dma_wait3A_76 = arith.constant 0 : i32
        %dma_wait3A_77 = tpu.memref_slice %arg2[%add3A, %scan3A_12, %dma_wait3A_76] : memref<32x128x1024xi32, #tpu.memory_space<hbm>> -> memref<1x1x1024xi32, #tpu.memory_space<hbm>>
        %dma_wait3A_78 = tpu.memref_squeeze %dma_wait3A_77 : memref<1x1x1024xi32, #tpu.memory_space<hbm>> -> memref<1024xi32, #tpu.memory_space<hbm>>
        tpu.wait_dma2 semaphore(%run_scoped3A : memref<!tpu.dma_semaphore, #tpu.memory_space<semaphore_mem>>) src(%dma_wait3A_78 : memref<1024xi32, #tpu.memory_space<hbm>>) dst(%dma_wait3A_75 : memref<1024xi32, #tpu.memory_space<vmem>>)
        tpu.yield
      }) : () -> ()
      %parallel_loop3A_48 = arith.constant 0 : i32
      %parallel_loop3A_49 = arith.constant 256 : i32
      %parallel_loop3A_50 = arith.constant 1 : i32
      scf.for %parallel_loop3A_60 = %parallel_loop3A_48 to %parallel_loop3A_49 step %parallel_loop3A_50  : i32 {
        %parallel_loop3A_61 = arith.constant 16 : i32
        %parallel_loop3A_62 = arith.muli %parallel_loop3A_60, %parallel_loop3A_61 : i32
        %parallel_loop3A_63 = arith.index_cast %parallel_loop3A_62 : i32 to index
        %parallel_loop3A_64 = tpu.vector_load %arg9[%parallel_loop3A_63] {strides = array<i32>} : memref<4096xf32, #tpu.memory_space<vmem>>, vector<16xf32>,
        %parallel_loop3A_65 = arith.constant 16 : i32
        %parallel_loop3A_66 = arith.muli %parallel_loop3A_60, %parallel_loop3A_65 : i32
        %parallel_loop3A_67 = arith.index_cast %parallel_loop3A_66 : i32 to index
        %parallel_loop3A_68 = tpu.vector_load %arg7[%parallel_loop3A_67] {strides = array<i32>} : memref<4096xf32, #tpu.memory_space<vmem>>, vector<16xf32>,
        tpu.vector_store %arg7[%parallel_loop3A_67], %parallel_loop3A_64 {strides = array<i32>} : memref<4096xf32, #tpu.memory_space<vmem>>, vector<16xf32>,
        %parallel_loop3A_69 = arith.constant 16 : i32
        %parallel_loop3A_70 = arith.muli %parallel_loop3A_60, %parallel_loop3A_69 : i32
        %parallel_loop3A_71 = arith.index_cast %parallel_loop3A_70 : i32 to index
        %parallel_loop3A_72 = tpu.vector_load %arg8[%parallel_loop3A_71] {strides = array<i32>} : memref<4096xf32, #tpu.memory_space<vmem>>, vector<16xf32>,
        tpu.vector_store %arg8[%parallel_loop3A_71], %parallel_loop3A_64 {strides = array<i32>} : memref<4096xf32, #tpu.memory_space<vmem>>, vector<16xf32>,
      } {sc.loop_unroll_factor = 4 : i64, sc.parallel_access}
      %scan3A_51 = arith.constant 0 : i32
      %scan3A_52 = arith.constant 0 : i32
      %scan3A_53 = arith.constant 13 : i32
      %scan3A_54 = arith.addi %scan3A_52, %scan3A_53 : i32
      %scan3A_55 = arith.constant 1 : i32
      scf.for %scan3A_60 = %scan3A_52 to %scan3A_54 step %scan3A_55  : i32 {
        %mul3A_61 = arith.constant 2 : i32
        %mul3A_62 = arith.muli %scan3A_60, %mul3A_61 : i32
        %add3A_63 = arith.constant 0 : i32
        %add3A_64 = arith.addi %mul3A_62, %add3A_63 : i32
        %dma_wait3A = arith.constant 0 : i32
        %dma_wait3A_65 = arith.constant 0 : i32
        %dma_wait3A_66 = arith.constant 0 : i32
        %dma_wait3A_67 = tpu.memref_slice %arg10[%dma_wait3A, %dma_wait3A_65, %dma_wait3A_66] : memref<2x2x8192xi32, #tpu.memory_space<vmem>> -> memref<1x2x8192xi32, #tpu.memory_space<vmem>>
        %dma_wait3A_68 = tpu.memref_squeeze %dma_wait3A_67 : memref<1x2x8192xi32, #tpu.memory_space<vmem>> -> memref<2x8192xi32, #tpu.memory_space<vmem>>
        %dma_wait3A_69 = arith.constant 0 : i32
        %dma_wait3A_70 = arith.constant 0 : i32
        %dma_wait3A_71 = tpu.memref_slice %arg3[%add3A_64, %dma_wait3A_69, %dma_wait3A_70] : memref<26x2x8192xi32, #tpu.memory_space<hbm>> -> memref<1x2x8192xi32, #tpu.memory_space<hbm>>
        %dma_wait3A_72 = tpu.memref_squeeze %dma_wait3A_71 : memref<1x2x8192xi32, #tpu.memory_space<hbm>> -> memref<2x8192xi32, #tpu.memory_space<hbm>>
        %dma_wait3A_73 = arith.constant 0 : i32
        %dma_wait3A_74 = arith.constant 0 : i32
        %dma_wait3A_75 = tpu.memref_slice %arg10[%dma_wait3A, %dma_wait3A_73, %dma_wait3A_74] : memref<2x2x8192xi32, #tpu.memory_space<vmem>> -> memref<1x2x8192xi32, #tpu.memory_space<vmem>>
        %dma_wait3A_76 = tpu.memref_squeeze %dma_wait3A_75 : memref<1x2x8192xi32, #tpu.memory_space<vmem>> -> memref<2x8192xi32, #tpu.memory_space<vmem>>
        %dma_wait3A_77 = arith.constant 0 : i32
        %dma_wait3A_78 = arith.constant 0 : i32
        %dma_wait3A_79 = tpu.memref_slice %arg3[%add3A_64, %dma_wait3A_77, %dma_wait3A_78] : memref<26x2x8192xi32, #tpu.memory_space<hbm>> -> memref<1x2x8192xi32, #tpu.memory_space<hbm>>
        %dma_wait3A_80 = tpu.memref_squeeze %dma_wait3A_79 : memref<1x2x8192xi32, #tpu.memory_space<hbm>> -> memref<2x8192xi32, #tpu.memory_space<hbm>>
        tpu.wait_dma2 semaphore(%arg11 : memref<!tpu.dma_semaphore, #tpu.memory_space<semaphore_mem>>) src(%dma_wait3A_80 : memref<2x8192xi32, #tpu.memory_space<hbm>>) dst(%dma_wait3A_76 : memref<2x8192xi32, #tpu.memory_space<vmem>>)
        %parallel_loop3A_81 = arith.constant 0 : i32
        %parallel_loop3A_82 = arith.constant 512 : i32
        %parallel_loop3A_83 = arith.constant 1 : i32
        scf.for %parallel_loop3A_119 = %parallel_loop3A_81 to %parallel_loop3A_82 step %parallel_loop3A_83  : i32 {
          %parallel_loop3A_120 = arith.constant 16 : i32
          %parallel_loop3A_121 = arith.muli %parallel_loop3A_119, %parallel_loop3A_120 : i32
          %parallel_loop3A_122 = arith.constant 0 : i32
          %parallel_loop3A_123 = arith.constant 0 : i32
          %parallel_loop3A_124 = arith.index_cast %parallel_loop3A_122 : i32 to index
          %parallel_loop3A_125 = arith.index_cast %parallel_loop3A_123 : i32 to index
          %parallel_loop3A_126 = arith.index_cast %parallel_loop3A_121 : i32 to index
          %parallel_loop3A_127 = tpu.vector_load %arg10[%parallel_loop3A_124, %parallel_loop3A_125, %parallel_loop3A_126] {strides = array<i32>} : memref<2x2x8192xi32, #tpu.memory_space<vmem>>, vector<16xi32>,
          %parallel_loop3A_128 = arith.constant 16 : i32
          %parallel_loop3A_129 = arith.muli %parallel_loop3A_119, %parallel_loop3A_128 : i32
          %parallel_loop3A_130 = arith.constant 0 : i32
          %parallel_loop3A_131 = arith.constant 1 : i32
          %parallel_loop3A_132 = arith.index_cast %parallel_loop3A_130 : i32 to index
          %parallel_loop3A_133 = arith.index_cast %parallel_loop3A_131 : i32 to index
          %parallel_loop3A_134 = arith.index_cast %parallel_loop3A_129 : i32 to index
          %parallel_loop3A_135 = tpu.vector_load %arg10[%parallel_loop3A_132, %parallel_loop3A_133, %parallel_loop3A_134] {strides = array<i32>} : memref<2x2x8192xi32, #tpu.memory_space<vmem>>, vector<16xi32>,
          %parallel_loop3A_136 = vector.bitcast %parallel_loop3A_135 : vector<16xi32> to vector<16xf32>
          %parallel_loop3A_137 = arith.constant 8191 : i32
          %parallel_loop3A_138 = vector.broadcast %parallel_loop3A_137 : i32 to vector<16xi32>
          %parallel_loop3A_139 = arith.andi %parallel_loop3A_127, %parallel_loop3A_138 : vector<16xi32>
          %parallel_loop3A_140 = arith.constant 13 : i32
          %parallel_loop3A_141 = vector.broadcast %parallel_loop3A_140 : i32 to vector<16xi32>
          %parallel_loop3A_142 = arith.shrsi %parallel_loop3A_127, %parallel_loop3A_141 : vector<16xi32>
          %parallel_loop3A_143 = tpu.vector_load_idx %arg6[%parallel_loop3A_139] : memref<5120xi32, #tpu.memory_space<vmem>>[vector<16xi32>], vector<16xi32>,
          %parallel_loop3A_144 = vector.bitcast %parallel_loop3A_143 : vector<16xi32> to vector<32xbf16>
          %parallel_loop3A_145 = tpu.unpack_subelements %parallel_loop3A_144, 0 {pack_format = #tpu.pack_format<interleaved>} : vector<32xbf16> -> vector<16xf32>
          %parallel_loop3A_146 = tpu.unpack_subelements %parallel_loop3A_144, 1 {pack_format = #tpu.pack_format<interleaved>} : vector<32xbf16> -> vector<16xf32>
          %parallel_loop3A_147 = arith.mulf %parallel_loop3A_145, %parallel_loop3A_136 : vector<16xf32>
          tpu.vector_store_idx %arg7[%parallel_loop3A_142], %parallel_loop3A_147 {add = true} : memref<4096xf32, #tpu.memory_space<vmem>>[vector<16xi32>], vector<16xf32>,
          %parallel_loop3A_148 = arith.mulf %parallel_loop3A_146, %parallel_loop3A_136 : vector<16xf32>
          tpu.vector_store_idx %arg8[%parallel_loop3A_142], %parallel_loop3A_148 {add = true} : memref<4096xf32, #tpu.memory_space<vmem>>[vector<16xi32>], vector<16xf32>,
        } {sc.loop_unroll_factor = 16 : i64, sc.parallel_access}
        %add3A_84 = arith.constant 2 : i32
        %add3A_85 = arith.addi %add3A_64, %add3A_84 : i32
        %lt3A = arith.constant 26 : i32
        %lt3A_86 = arith.cmpi slt, %add3A_85, %lt3A : i32
        %convert_element_type3A = arith.extui %lt3A_86 : i1 to i32
        %cond3A = arith.constant 0 : i32
        %cond3A_87 = arith.cmpi ne, %convert_element_type3A, %cond3A : i32
        scf.if %cond3A_87 {
          %add3A_119 = arith.constant 2 : i32
          %add3A_120 = arith.addi %add3A_64, %add3A_119 : i32
          %dma_start3A_121 = arith.constant 0 : i32
          %dma_start3A_122 = arith.constant 0 : i32
          %dma_start3A_123 = arith.constant 0 : i32
          %dma_start3A_124 = tpu.memref_slice %arg10[%dma_start3A_121, %dma_start3A_122, %dma_start3A_123] : memref<2x2x8192xi32, #tpu.memory_space<vmem>> -> memref<1x2x8192xi32, #tpu.memory_space<vmem>>
          %dma_start3A_125 = tpu.memref_squeeze %dma_start3A_124 : memref<1x2x8192xi32, #tpu.memory_space<vmem>> -> memref<2x8192xi32, #tpu.memory_space<vmem>>
          %dma_start3A_126 = arith.constant 0 : i32
          %dma_start3A_127 = arith.constant 0 : i32
          %dma_start3A_128 = tpu.memref_slice %arg3[%add3A_120, %dma_start3A_126, %dma_start3A_127] : memref<26x2x8192xi32, #tpu.memory_space<hbm>> -> memref<1x2x8192xi32, #tpu.memory_space<hbm>>
          %dma_start3A_129 = tpu.memref_squeeze %dma_start3A_128 : memref<1x2x8192xi32, #tpu.memory_space<hbm>> -> memref<2x8192xi32, #tpu.memory_space<hbm>>
          %dma_start3A_130 = arith.constant 0 : i32
          %dma_start3A_131 = arith.constant 0 : i32
          %dma_start3A_132 = tpu.memref_slice %arg10[%dma_start3A_121, %dma_start3A_130, %dma_start3A_131] : memref<2x2x8192xi32, #tpu.memory_space<vmem>> -> memref<1x2x8192xi32, #tpu.memory_space<vmem>>
          %dma_start3A_133 = tpu.memref_squeeze %dma_start3A_132 : memref<1x2x8192xi32, #tpu.memory_space<vmem>> -> memref<2x8192xi32, #tpu.memory_space<vmem>>
          %dma_start3A_134 = arith.constant 0 : i32
          %dma_start3A_135 = arith.constant 0 : i32
          %dma_start3A_136 = tpu.memref_slice %arg3[%add3A_120, %dma_start3A_134, %dma_start3A_135] : memref<26x2x8192xi32, #tpu.memory_space<hbm>> -> memref<1x2x8192xi32, #tpu.memory_space<hbm>>
          %dma_start3A_137 = tpu.memref_squeeze %dma_start3A_136 : memref<1x2x8192xi32, #tpu.memory_space<hbm>> -> memref<2x8192xi32, #tpu.memory_space<hbm>>
          tpu.enqueue_dma source(%dma_start3A_137 : memref<2x8192xi32, #tpu.memory_space<hbm>>) target(%dma_start3A_133 : memref<2x8192xi32, #tpu.memory_space<vmem>>) target_semaphore(%arg11 : memref<!tpu.dma_semaphore, #tpu.memory_space<semaphore_mem>>)
        } else {
        }
        %mul3A_88 = arith.constant 2 : i32
        %mul3A_89 = arith.muli %scan3A_60, %mul3A_88 : i32
        %add3A_90 = arith.constant 1 : i32
        %add3A_91 = arith.addi %mul3A_89, %add3A_90 : i32
        %dma_wait3A_92 = arith.constant 1 : i32
        %dma_wait3A_93 = arith.constant 0 : i32
        %dma_wait3A_94 = arith.constant 0 : i32
        %dma_wait3A_95 = tpu.memref_slice %arg10[%dma_wait3A_92, %dma_wait3A_93, %dma_wait3A_94] : memref<2x2x8192xi32, #tpu.memory_space<vmem>> -> memref<1x2x8192xi32, #tpu.memory_space<vmem>>
        %dma_wait3A_96 = tpu.memref_squeeze %dma_wait3A_95 : memref<1x2x8192xi32, #tpu.memory_space<vmem>> -> memref<2x8192xi32, #tpu.memory_space<vmem>>
        %dma_wait3A_97 = arith.constant 0 : i32
        %dma_wait3A_98 = arith.constant 0 : i32
        %dma_wait3A_99 = tpu.memref_slice %arg3[%add3A_91, %dma_wait3A_97, %dma_wait3A_98] : memref<26x2x8192xi32, #tpu.memory_space<hbm>> -> memref<1x2x8192xi32, #tpu.memory_space<hbm>>
        %dma_wait3A_100 = tpu.memref_squeeze %dma_wait3A_99 : memref<1x2x8192xi32, #tpu.memory_space<hbm>> -> memref<2x8192xi32, #tpu.memory_space<hbm>>
        %dma_wait3A_101 = arith.constant 0 : i32
        %dma_wait3A_102 = arith.constant 0 : i32
        %dma_wait3A_103 = tpu.memref_slice %arg10[%dma_wait3A_92, %dma_wait3A_101, %dma_wait3A_102] : memref<2x2x8192xi32, #tpu.memory_space<vmem>> -> memref<1x2x8192xi32, #tpu.memory_space<vmem>>
        %dma_wait3A_104 = tpu.memref_squeeze %dma_wait3A_103 : memref<1x2x8192xi32, #tpu.memory_space<vmem>> -> memref<2x8192xi32, #tpu.memory_space<vmem>>
        %dma_wait3A_105 = arith.constant 0 : i32
        %dma_wait3A_106 = arith.constant 0 : i32
        %dma_wait3A_107 = tpu.memref_slice %arg3[%add3A_91, %dma_wait3A_105, %dma_wait3A_106] : memref<26x2x8192xi32, #tpu.memory_space<hbm>> -> memref<1x2x8192xi32, #tpu.memory_space<hbm>>
        %dma_wait3A_108 = tpu.memref_squeeze %dma_wait3A_107 : memref<1x2x8192xi32, #tpu.memory_space<hbm>> -> memref<2x8192xi32, #tpu.memory_space<hbm>>
        tpu.wait_dma2 semaphore(%arg12 : memref<!tpu.dma_semaphore, #tpu.memory_space<semaphore_mem>>) src(%dma_wait3A_108 : memref<2x8192xi32, #tpu.memory_space<hbm>>) dst(%dma_wait3A_104 : memref<2x8192xi32, #tpu.memory_space<vmem>>)
        %parallel_loop3A_109 = arith.constant 0 : i32
        %parallel_loop3A_110 = arith.constant 512 : i32
        %parallel_loop3A_111 = arith.constant 1 : i32
        scf.for %parallel_loop3A_119 = %parallel_loop3A_109 to %parallel_loop3A_110 step %parallel_loop3A_111  : i32 {
          %parallel_loop3A_120 = arith.constant 16 : i32
          %parallel_loop3A_121 = arith.muli %parallel_loop3A_119, %parallel_loop3A_120 : i32
          %parallel_loop3A_122 = arith.constant 1 : i32
          %parallel_loop3A_123 = arith.constant 0 : i32
          %parallel_loop3A_124 = arith.index_cast %parallel_loop3A_122 : i32 to index
          %parallel_loop3A_125 = arith.index_cast %parallel_loop3A_123 : i32 to index
          %parallel_loop3A_126 = arith.index_cast %parallel_loop3A_121 : i32 to index
          %parallel_loop3A_127 = tpu.vector_load %arg10[%parallel_loop3A_124, %parallel_loop3A_125, %parallel_loop3A_126] {strides = array<i32>} : memref<2x2x8192xi32, #tpu.memory_space<vmem>>, vector<16xi32>,
          %parallel_loop3A_128 = arith.constant 16 : i32
          %parallel_loop3A_129 = arith.muli %parallel_loop3A_119, %parallel_loop3A_128 : i32
          %parallel_loop3A_130 = arith.constant 1 : i32
          %parallel_loop3A_131 = arith.constant 1 : i32
          %parallel_loop3A_132 = arith.index_cast %parallel_loop3A_130 : i32 to index
          %parallel_loop3A_133 = arith.index_cast %parallel_loop3A_131 : i32 to index
          %parallel_loop3A_134 = arith.index_cast %parallel_loop3A_129 : i32 to index
          %parallel_loop3A_135 = tpu.vector_load %arg10[%parallel_loop3A_132, %parallel_loop3A_133, %parallel_loop3A_134] {strides = array<i32>} : memref<2x2x8192xi32, #tpu.memory_space<vmem>>, vector<16xi32>,
          %parallel_loop3A_136 = vector.bitcast %parallel_loop3A_135 : vector<16xi32> to vector<16xf32>
          %parallel_loop3A_137 = arith.constant 8191 : i32
          %parallel_loop3A_138 = vector.broadcast %parallel_loop3A_137 : i32 to vector<16xi32>
          %parallel_loop3A_139 = arith.andi %parallel_loop3A_127, %parallel_loop3A_138 : vector<16xi32>
          %parallel_loop3A_140 = arith.constant 13 : i32
          %parallel_loop3A_141 = vector.broadcast %parallel_loop3A_140 : i32 to vector<16xi32>
          %parallel_loop3A_142 = arith.shrsi %parallel_loop3A_127, %parallel_loop3A_141 : vector<16xi32>
          %parallel_loop3A_143 = tpu.vector_load_idx %arg6[%parallel_loop3A_139] : memref<5120xi32, #tpu.memory_space<vmem>>[vector<16xi32>], vector<16xi32>,
          %parallel_loop3A_144 = vector.bitcast %parallel_loop3A_143 : vector<16xi32> to vector<32xbf16>
          %parallel_loop3A_145 = tpu.unpack_subelements %parallel_loop3A_144, 0 {pack_format = #tpu.pack_format<interleaved>} : vector<32xbf16> -> vector<16xf32>
          %parallel_loop3A_146 = tpu.unpack_subelements %parallel_loop3A_144, 1 {pack_format = #tpu.pack_format<interleaved>} : vector<32xbf16> -> vector<16xf32>
          %parallel_loop3A_147 = arith.mulf %parallel_loop3A_145, %parallel_loop3A_136 : vector<16xf32>
          tpu.vector_store_idx %arg7[%parallel_loop3A_142], %parallel_loop3A_147 {add = true} : memref<4096xf32, #tpu.memory_space<vmem>>[vector<16xi32>], vector<16xf32>,
          %parallel_loop3A_148 = arith.mulf %parallel_loop3A_146, %parallel_loop3A_136 : vector<16xf32>
          tpu.vector_store_idx %arg8[%parallel_loop3A_142], %parallel_loop3A_148 {add = true} : memref<4096xf32, #tpu.memory_space<vmem>>[vector<16xi32>], vector<16xf32>,
        } {sc.loop_unroll_factor = 16 : i64, sc.parallel_access}
        %add3A_112 = arith.constant 2 : i32
        %add3A_113 = arith.addi %add3A_91, %add3A_112 : i32
        %lt3A_114 = arith.constant 26 : i32
        %lt3A_115 = arith.cmpi slt, %add3A_113, %lt3A_114 : i32
        %convert_element_type3A_116 = arith.extui %lt3A_115 : i1 to i32
        %cond3A_117 = arith.constant 0 : i32
        %cond3A_118 = arith.cmpi ne, %convert_element_type3A_116, %cond3A_117 : i32
        scf.if %cond3A_118 {
          %add3A_119 = arith.constant 2 : i32
          %add3A_120 = arith.addi %add3A_91, %add3A_119 : i32
          %dma_start3A_121 = arith.constant 1 : i32
          %dma_start3A_122 = arith.constant 0 : i32
          %dma_start3A_123 = arith.constant 0 : i32
          %dma_start3A_124 = tpu.memref_slice %arg10[%dma_start3A_121, %dma_start3A_122, %dma_start3A_123] : memref<2x2x8192xi32, #tpu.memory_space<vmem>> -> memref<1x2x8192xi32, #tpu.memory_space<vmem>>
          %dma_start3A_125 = tpu.memref_squeeze %dma_start3A_124 : memref<1x2x8192xi32, #tpu.memory_space<vmem>> -> memref<2x8192xi32, #tpu.memory_space<vmem>>
          %dma_start3A_126 = arith.constant 0 : i32
          %dma_start3A_127 = arith.constant 0 : i32
          %dma_start3A_128 = tpu.memref_slice %arg3[%add3A_120, %dma_start3A_126, %dma_start3A_127] : memref<26x2x8192xi32, #tpu.memory_space<hbm>> -> memref<1x2x8192xi32, #tpu.memory_space<hbm>>
          %dma_start3A_129 = tpu.memref_squeeze %dma_start3A_128 : memref<1x2x8192xi32, #tpu.memory_space<hbm>> -> memref<2x8192xi32, #tpu.memory_space<hbm>>
          %dma_start3A_130 = arith.constant 0 : i32
          %dma_start3A_131 = arith.constant 0 : i32
          %dma_start3A_132 = tpu.memref_slice %arg10[%dma_start3A_121, %dma_start3A_130, %dma_start3A_131] : memref<2x2x8192xi32, #tpu.memory_space<vmem>> -> memref<1x2x8192xi32, #tpu.memory_space<vmem>>
          %dma_start3A_133 = tpu.memref_squeeze %dma_start3A_132 : memref<1x2x8192xi32, #tpu.memory_space<vmem>> -> memref<2x8192xi32, #tpu.memory_space<vmem>>
          %dma_start3A_134 = arith.constant 0 : i32
          %dma_start3A_135 = arith.constant 0 : i32
          %dma_start3A_136 = tpu.memref_slice %arg3[%add3A_120, %dma_start3A_134, %dma_start3A_135] : memref<26x2x8192xi32, #tpu.memory_space<hbm>> -> memref<1x2x8192xi32, #tpu.memory_space<hbm>>
          %dma_start3A_137 = tpu.memref_squeeze %dma_start3A_136 : memref<1x2x8192xi32, #tpu.memory_space<hbm>> -> memref<2x8192xi32, #tpu.memory_space<hbm>>
          tpu.enqueue_dma source(%dma_start3A_137 : memref<2x8192xi32, #tpu.memory_space<hbm>>) target(%dma_start3A_133 : memref<2x8192xi32, #tpu.memory_space<vmem>>) target_semaphore(%arg12 : memref<!tpu.dma_semaphore, #tpu.memory_space<semaphore_mem>>)
        } else {
        }
      }
      %scan3A_56 = arith.constant 13 : i32
      %parallel_loop3A_57 = arith.constant 0 : i32
      %parallel_loop3A_58 = arith.constant 256 : i32
      %parallel_loop3A_59 = arith.constant 1 : i32
      scf.for %parallel_loop3A_60 = %parallel_loop3A_57 to %parallel_loop3A_58 step %parallel_loop3A_59  : i32 {
        %parallel_loop3A_61 = arith.constant 16 : i32
        %parallel_loop3A_62 = arith.muli %parallel_loop3A_60, %parallel_loop3A_61 : i32
        %parallel_loop3A_63 = arith.index_cast %parallel_loop3A_62 : i32 to index
        %parallel_loop3A_64 = tpu.vector_load %arg7[%parallel_loop3A_63] {strides = array<i32>} : memref<4096xf32, #tpu.memory_space<vmem>>, vector<16xf32>,
        %parallel_loop3A_65 = arith.addf %parallel_loop3A_64, %parallel_loop3A_64 : vector<16xf32>
        %parallel_loop3A_66 = math.exp %parallel_loop3A_65 : vector<16xf32>
        %parallel_loop3A_67 = arith.constant 1.000000e+00 : f32
        %parallel_loop3A_68 = vector.broadcast %parallel_loop3A_67 : f32 to vector<16xf32>
        %parallel_loop3A_69 = arith.addf %parallel_loop3A_66, %parallel_loop3A_68 : vector<16xf32>
        %parallel_loop3A_70 = arith.constant 2.000000e+00 : f32
        %parallel_loop3A_71 = vector.broadcast %parallel_loop3A_70 : f32 to vector<16xf32>
        %parallel_loop3A_72 = arith.divf %parallel_loop3A_71, %parallel_loop3A_69 : vector<16xf32>
        %parallel_loop3A_73 = arith.constant 1.000000e+00 : f32
        %parallel_loop3A_74 = vector.broadcast %parallel_loop3A_73 : f32 to vector<16xf32>
        %parallel_loop3A_75 = arith.subf %parallel_loop3A_74, %parallel_loop3A_72 : vector<16xf32>
        %parallel_loop3A_76 = arith.index_cast %parallel_loop3A_62 : i32 to index
        %parallel_loop3A_77 = tpu.vector_load %arg8[%parallel_loop3A_76] {strides = array<i32>} : memref<4096xf32, #tpu.memory_space<vmem>>, vector<16xf32>,
        %parallel_loop3A_78 = arith.addf %parallel_loop3A_77, %parallel_loop3A_77 : vector<16xf32>
        %parallel_loop3A_79 = math.exp %parallel_loop3A_78 : vector<16xf32>
        %parallel_loop3A_80 = arith.constant 1.000000e+00 : f32
        %parallel_loop3A_81 = vector.broadcast %parallel_loop3A_80 : f32 to vector<16xf32>
        %parallel_loop3A_82 = arith.addf %parallel_loop3A_79, %parallel_loop3A_81 : vector<16xf32>
        %parallel_loop3A_83 = arith.constant 2.000000e+00 : f32
        %parallel_loop3A_84 = vector.broadcast %parallel_loop3A_83 : f32 to vector<16xf32>
        %parallel_loop3A_85 = arith.divf %parallel_loop3A_84, %parallel_loop3A_82 : vector<16xf32>
        %parallel_loop3A_86 = arith.constant 1.000000e+00 : f32
        %parallel_loop3A_87 = vector.broadcast %parallel_loop3A_86 : f32 to vector<16xf32>
        %parallel_loop3A_88 = arith.subf %parallel_loop3A_87, %parallel_loop3A_85 : vector<16xf32>
        %parallel_loop3A_89 = arith.index_cast %parallel_loop3A_62 : i32 to index
        %parallel_loop3A_90 = tpu.vector_load %arg7[%parallel_loop3A_89] {strides = array<i32>} : memref<4096xf32, #tpu.memory_space<vmem>>, vector<16xf32>,
        tpu.vector_store %arg7[%parallel_loop3A_89], %parallel_loop3A_75 {strides = array<i32>} : memref<4096xf32, #tpu.memory_space<vmem>>, vector<16xf32>,
        %parallel_loop3A_91 = arith.index_cast %parallel_loop3A_62 : i32 to index
        %parallel_loop3A_92 = tpu.vector_load %arg8[%parallel_loop3A_91] {strides = array<i32>} : memref<4096xf32, #tpu.memory_space<vmem>>, vector<16xf32>,
        tpu.vector_store %arg8[%parallel_loop3A_91], %parallel_loop3A_88 {strides = array<i32>} : memref<4096xf32, #tpu.memory_space<vmem>>, vector<16xf32>,
        %parallel_loop3A_93 = tpu.pack_subelements %parallel_loop3A_75, %parallel_loop3A_88 {pack_format = #tpu.pack_format<interleaved>, positions = array<i32: 0, 1>} : vector<16xf32>, vector<16xf32> -> vector<32xbf16>
        %parallel_loop3A_94 = vector.bitcast %parallel_loop3A_93 : vector<32xbf16> to vector<16xi32>
        %parallel_loop3A_95 = arith.index_cast %parallel_loop3A_62 : i32 to index
        %parallel_loop3A_96 = tpu.vector_load %arg6[%parallel_loop3A_95] {strides = array<i32>} : memref<5120xi32, #tpu.memory_space<vmem>>, vector<16xi32>,
        tpu.vector_store %arg6[%parallel_loop3A_95], %parallel_loop3A_94 {strides = array<i32>} : memref<5120xi32, #tpu.memory_space<vmem>>, vector<16xi32>,
      } {sc.loop_unroll_factor = 4 : i64, sc.parallel_access}
      "tpu.region"() ({
        %run_scoped3A = tpu.sem_alloc : memref<!tpu.dma_semaphore, #tpu.memory_space<semaphore_mem>>
        %dma_start3A_60 = arith.constant 0 : i32
        %dma_start3A_61 = tpu.memref_slice %arg5[%mul3A_2, %scan3A_12, %dma_start3A_60] : memref<64x128x4096xf32, #tpu.memory_space<hbm>> -> memref<1x1x4096xf32, #tpu.memory_space<hbm>>
        %dma_start3A_62 = tpu.memref_squeeze %dma_start3A_61 : memref<1x1x4096xf32, #tpu.memory_space<hbm>> -> memref<4096xf32, #tpu.memory_space<hbm>>
        %dma_start3A_63 = arith.constant 0 : i32
        %dma_start3A_64 = tpu.memref_slice %arg5[%mul3A_2, %scan3A_12, %dma_start3A_63] : memref<64x128x4096xf32, #tpu.memory_space<hbm>> -> memref<1x1x4096xf32, #tpu.memory_space<hbm>>
        %dma_start3A_65 = tpu.memref_squeeze %dma_start3A_64 : memref<1x1x4096xf32, #tpu.memory_space<hbm>> -> memref<4096xf32, #tpu.memory_space<hbm>>
        tpu.enqueue_dma source(%arg7 : memref<4096xf32, #tpu.memory_space<vmem>>) target(%dma_start3A_65 : memref<4096xf32, #tpu.memory_space<hbm>>) target_semaphore(%run_scoped3A : memref<!tpu.dma_semaphore, #tpu.memory_space<semaphore_mem>>)
        %dma_wait3A = arith.constant 0 : i32
        %dma_wait3A_66 = tpu.memref_slice %arg5[%mul3A_2, %scan3A_12, %dma_wait3A] : memref<64x128x4096xf32, #tpu.memory_space<hbm>> -> memref<1x1x4096xf32, #tpu.memory_space<hbm>>
        %dma_wait3A_67 = tpu.memref_squeeze %dma_wait3A_66 : memref<1x1x4096xf32, #tpu.memory_space<hbm>> -> memref<4096xf32, #tpu.memory_space<hbm>>
        %dma_wait3A_68 = arith.constant 0 : i32
        %dma_wait3A_69 = tpu.memref_slice %arg5[%mul3A_2, %scan3A_12, %dma_wait3A_68] : memref<64x128x4096xf32, #tpu.memory_space<hbm>> -> memref<1x1x4096xf32, #tpu.memory_space<hbm>>
        %dma_wait3A_70 = tpu.memref_squeeze %dma_wait3A_69 : memref<1x1x4096xf32, #tpu.memory_space<hbm>> -> memref<4096xf32, #tpu.memory_space<hbm>>
        tpu.wait_dma2 semaphore(%run_scoped3A : memref<!tpu.dma_semaphore, #tpu.memory_space<semaphore_mem>>) src(%arg7 : memref<4096xf32, #tpu.memory_space<vmem>>) dst(%dma_wait3A_70 : memref<4096xf32, #tpu.memory_space<hbm>>)
        tpu.yield
      }) : () -> ()
      "tpu.region"() ({
        %run_scoped3A = tpu.sem_alloc : memref<!tpu.dma_semaphore, #tpu.memory_space<semaphore_mem>>
        %dma_start3A_60 = arith.constant 0 : i32
        %dma_start3A_61 = tpu.memref_slice %arg5[%add3A_4, %scan3A_12, %dma_start3A_60] : memref<64x128x4096xf32, #tpu.memory_space<hbm>> -> memref<1x1x4096xf32, #tpu.memory_space<hbm>>
        %dma_start3A_62 = tpu.memref_squeeze %dma_start3A_61 : memref<1x1x4096xf32, #tpu.memory_space<hbm>> -> memref<4096xf32, #tpu.memory_space<hbm>>
        %dma_start3A_63 = arith.constant 0 : i32
        %dma_start3A_64 = tpu.memref_slice %arg5[%add3A_4, %scan3A_12, %dma_start3A_63] : memref<64x128x4096xf32, #tpu.memory_space<hbm>> -> memref<1x1x4096xf32, #tpu.memory_space<hbm>>
        %dma_start3A_65 = tpu.memref_squeeze %dma_start3A_64 : memref<1x1x4096xf32, #tpu.memory_space<hbm>> -> memref<4096xf32, #tpu.memory_space<hbm>>
        tpu.enqueue_dma source(%arg8 : memref<4096xf32, #tpu.memory_space<vmem>>) target(%dma_start3A_65 : memref<4096xf32, #tpu.memory_space<hbm>>) target_semaphore(%run_scoped3A : memref<!tpu.dma_semaphore, #tpu.memory_space<semaphore_mem>>)
        %dma_wait3A = arith.constant 0 : i32
        %dma_wait3A_66 = tpu.memref_slice %arg5[%add3A_4, %scan3A_12, %dma_wait3A] : memref<64x128x4096xf32, #tpu.memory_space<hbm>> -> memref<1x1x4096xf32, #tpu.memory_space<hbm>>
        %dma_wait3A_67 = tpu.memref_squeeze %dma_wait3A_66 : memref<1x1x4096xf32, #tpu.memory_space<hbm>> -> memref<4096xf32, #tpu.memory_space<hbm>>
        %dma_wait3A_68 = arith.constant 0 : i32
        %dma_wait3A_69 = tpu.memref_slice %arg5[%add3A_4, %scan3A_12, %dma_wait3A_68] : memref<64x128x4096xf32, #tpu.memory_space<hbm>> -> memref<1x1x4096xf32, #tpu.memory_space<hbm>>
        %dma_wait3A_70 = tpu.memref_squeeze %dma_wait3A_69 : memref<1x1x4096xf32, #tpu.memory_space<hbm>> -> memref<4096xf32, #tpu.memory_space<hbm>>
        tpu.wait_dma2 semaphore(%run_scoped3A : memref<!tpu.dma_semaphore, #tpu.memory_space<semaphore_mem>>) src(%arg8 : memref<4096xf32, #tpu.memory_space<vmem>>) dst(%dma_wait3A_70 : memref<4096xf32, #tpu.memory_space<hbm>>)
        tpu.yield
      }) : () -> ()
    }
    %scan3A_11 = arith.constant 128 : i32
    return
  }
}

</mosaic_0001>

<sc_bundles>
// kernel: kernel.3.cloned.1.call-start
scs
__scs_entry_jumppad:
0x0: {  	(pc) =	sbr.rel $0x88, $3  }
0x1: {  	(tag) =	ssettag $0x0;
	lr =	simm.s32 $0x1  }
0x2: {  	[smem:$0x3F9B] =	sst lr;
	_ =	strace $0xD0000000  }
0x3: {  	_ = 	snop  }
0x4: {  	_ = 	snop  }
0x5: {  	_ = 	snop  }
0x6: {  	_ = 	snop  }
0x7: {  	_ = 	snop  }
__scs_overlays_trampoline_lowered:
0x8: {  	[smem:$0x3FAA] =	sst s0  }
0x9: {  	[smem:$0x3FAB] =	sst s1  }
0xa: {  	[smem:$0x3FAC] =	sst s2  }
0xb: {  	[smem:$0x3FAD] =	sst s3  }
0xc: {  	[smem:$0x3FAE] =	sst s4  }
0xd: {  	[smem:$0x3FAF] =	sst s5  }
0xe: {  	[smem:$0x3FB0] =	sst s6  }
0xf: {  	[smem:$0x3FB1] =	sst s7  }
0x10: {  	[smem:$0x3FB2] =	sst s8  }
0x11: {  	[smem:$0x3FB3] =	sst s9;
	s0 =	simm.s32 @!p0 $0x0  }
0x12: {  	s1 =	sld [smem:$0x3F99];
	s0 =	simm.s32 @p0 $0x1  }
0x13: {  	[smem:$0x3FB4] =	sst s0;
	s0 =	simm.s32 @!p1 $0x0  }
0x14: {  	s2 =	sld [smem:$0x3F98];
	s0 =	simm.s32 @p1 $0x1  }
0x15: {  	[smem:$0x3FB5] =	sst s0;
	s0 =	simm.s32 @!p2 $0x0  }
0x16: {  	s3 =	sld [smem:$0x3FDB];
	s0 =	simm.s32 @p2 $0x1  }
0x17: {  	s4 =	simm.s32 $0x1BF5;
	[smem:$0x3FB7] =	sst s0  }
0x18: {  	s0 =	sld [smem:$0x3F9A];
	_ =	swait.ge [sflag:s4], $0x0  }
0x19: {  	s7 =	sld [smem:$0x3F9B]  }
0x1a: {  	s8 =	sadd.s32 $0xFFFFE003, lr  }
0x1b: {  	s9 =	sadd.s32 $0xFFFFFEF7, lr;
	s5 =	simm.s32 $0xFFFFFFFF;
	p2 =	slt.u32 s8, $0xFFFFF086  }
0x1c: {  	p1 =	slt.u32 s9, $0xF7A;
	s5 =	simm.s32 @!p2 $0x0  }
0x1d: {  	s5 =	simm.s32 @p1 $0x1;
	p0 =	seq.s32 s7, s2  }
0x1e: {  	s7 =	smul.u32 @!p0 $0xF7A, s2;
	p2 =	seq.s32 @!p0 s5, $0x0  }
0x1f: {  	s9 =	smul.u32 $0xF7A, s1;
	s8 =	simm.s32 @!p0 $0x1BF5;
	p2 =	por !p2, p0  }
0x20: {  	[sflag:s8] =	ssyncset.s32 @!p0 $0xFFFFF086;
	s6 =	sadd.s32 @!p0 s3, s7;
	s7 =	simm.s32 @!p0 $0x108  }
0x21: {  	s3 =	sadd.s32 s3, s9;
	s6 =	sadd.s32 @!p0 $0x88, s6;
	s7 =	simm.s32 @p2 $0x1082  }
0x22: {  	[simem:s7], [sflag:s8] =	dma.local @!p0 [hbm:s6], $0xF7A  }
0x23: {  	s9 =	sor.u32 $0xD0000000, s2;
	s6 =	simm.s32 $0x108;
	_ =	swait.ge @!p0 [sflag:s8], $0x0  }
0x24: {  	s3 =	sadd.s32 $0x88, s3;
	s6 =	simm.s32 @!p1 $0x1082;
	[sflag:s4] =	ssyncset.s32 $0xFFFFF086  }
0x25: {  	[simem:s6], [sflag:s4] =	dma.local [hbm:s3], $0xF7A  }
0x26: {  	[smem:$0x3F9B] =	sst s1;
	(tag) =	ssettag s2;
	_ =	strace s9  }
0x27: {  	s1 =	sld [smem:$0x3FAB]  }
0x28: {  	s2 =	sld [smem:$0x3FAC]  }
0x29: {  	s4 =	sld [smem:$0x3FAE]  }
0x2a: {  	p0 =	seq.s32 s5, $0x0;
	s5 =	sld [smem:$0x3FAF]  }
0x2b: {  	s6 =	sld [smem:$0x3FB0]  }
0x2c: {  	s7 =	sld [smem:$0x3FB1]  }
0x2d: {  	s3 =	simm.s32 $0x108;
	s8 =	sld [smem:$0x3FB2]  }
0x2e: {  	s3 =	simm.s32 @!p0 $0x1082;
	s9 =	sld [smem:$0x3FB3]  }
0x2f: {  	lr =	sadd.s32 s0, s3;
	s0 =	sld [smem:$0x3FAA]  }
0x30: {  	s3 =	sld [smem:$0x3FAD]  }
0x31: {  	[smem:$0x3FB6] =	sst s10  }
0x32: {  	s10 =	sld [smem:$0x3FB4];
	_ =	sdelay $0x3  }
0x33: {  	p0 =	seq.s32 s10, $0x1;
	s10 =	sld [smem:$0x3FB6];
	_ =	sdelay $0x3  }
0x34: {  	[smem:$0x3FB6] =	sst s10  }
0x35: {  	s10 =	sld [smem:$0x3FB5];
	_ =	sdelay $0x3  }
0x36: {  	p1 =	seq.s32 s10, $0x1;
	s10 =	sld [smem:$0x3FB6];
	_ =	sdelay $0x3  }
0x37: {  	[smem:$0x3FB6] =	sst s10  }
0x38: {  	s10 =	sld [smem:$0x3FB7]  }
0x39: {  	_ = 	snop;
	(pc) =	sbr.ind lr, $3  }
0x3a: {  	_ = 	snop  }
0x3b: {  	_ = 	snop  }
0x3c: {  	p2 =	seq.s32 s10, $0x1;
	s10 =	sld [smem:$0x3FB6]  }
0x3d: {  	_ =	shalt  }
0x3e: {  	_ =	shalt  }
0x3f: {  	_ =	shalt  }
0x40: {  	_ =	shalt  }
0x41: {  	_ =	shalt  }
0x42: {  	_ =	shalt  }
0x43: {  	_ =	shalt  }
0x44: {  	_ =	shalt  }
0x45: {  	_ =	shalt  }
0x46: {  	_ =	shalt  }
0x47: {  	_ =	shalt  }
0x48: {  	_ =	shalt  }
0x49: {  	_ =	shalt  }
0x4a: {  	_ =	shalt  }
0x4b: {  	_ =	shalt  }
0x4c: {  	_ =	shalt  }
0x4d: {  	_ =	shalt  }
0x4e: {  	_ =	shalt  }
0x4f: {  	_ =	shalt  }
0x50: {  	_ =	shalt  }
0x51: {  	_ =	shalt  }
0x52: {  	_ =	shalt  }
0x53: {  	_ =	shalt  }
0x54: {  	_ =	shalt  }
0x55: {  	_ =	shalt  }
0x56: {  	_ =	shalt  }
0x57: {  	_ =	shalt  }
0x58: {  	_ =	shalt  }
0x59: {  	_ =	shalt  }
0x5a: {  	_ =	shalt  }
0x5b: {  	_ =	shalt  }
0x5c: {  	_ =	shalt  }
0x5d: {  	_ =	shalt  }
0x5e: {  	_ =	shalt  }
0x5f: {  	_ =	shalt  }
0x60: {  	_ =	shalt  }
0x61: {  	_ =	shalt  }
0x62: {  	_ =	shalt  }
0x63: {  	_ =	shalt  }
0x64: {  	_ =	shalt  }
0x65: {  	_ =	shalt  }
0x66: {  	_ =	shalt  }
0x67: {  	_ =	shalt  }
0x68: {  	_ =	shalt  }
0x69: {  	_ =	shalt  }
0x6a: {  	_ =	shalt  }
0x6b: {  	_ =	shalt  }
0x6c: {  	_ =	shalt  }
0x6d: {  	_ =	shalt  }
0x6e: {  	_ =	shalt  }
0x6f: {  	_ =	shalt  }
0x70: {  	_ =	shalt  }
0x71: {  	_ =	shalt  }
0x72: {  	_ =	shalt  }
0x73: {  	_ =	shalt  }
0x74: {  	_ =	shalt  }
0x75: {  	_ =	shalt  }
0x76: {  	_ =	shalt  }
0x77: {  	_ =	shalt  }
0x78: {  	_ =	shalt  }
0x79: {  	_ =	shalt  }
0x7a: {  	_ =	shalt  }
0x7b: {  	_ =	shalt  }
0x7c: {  	_ =	shalt  }
0x7d: {  	_ =	shalt  }
0x7e: {  	_ =	shalt  }
0x7f: {  	_ =	shalt  }
0x80: {  	_ =	shalt  }
0x81: {  	_ =	shalt  }
0x82: {  	_ =	shalt  }
0x83: {  	_ =	shalt  }
0x84: {  	_ =	shalt  }
0x85: {  	_ =	shalt  }
0x86: {  	_ =	shalt  }
0x87: {  	_ =	shalt  }
.Lfunc_end0:
.L_simem_size_0:
called_computation_lowered:
.L_overlay_start_0:
0x88: {  	s2 =	sld [smem:$0x3FD9]  }
0x89: {  	s3 =	sld [smem:$0x3FFE];
	_ =	sdelay $0x1  }
0x8a: {  	s1 =	srdreg.scid  }
0x8b: {  	s0 =	sand.u32 $0x1, s1  }
0x8c: {  	s17 =	sshll.u32 s0, $0xA;
	s2 =	sadd.s32 s3, s2  }
0x8d: {  	s2 =	sadd.s32 s2, s17  }
0x8e: {  	[smem:$0x3FC2] =	sst s2  }
0x8f: {  	_ = 	snop  }
0x90: {  	s2 =	sld [smem:$0x3FC4]  }
0x91: {  	s18 =	sld [smem:$0x3FD0];
	(tm) =	ssettm $0x1  }
0x92: {  	s4 =	sld [smem:$0x3FFB];
	_ =	sdelay $0x3  }
0x93: {  	_ =	strace s4  }
0x94: {  	s4 =	sld [smem:$0x3FFC];
	_ =	sdelay $0x3  }
0x95: {  	_ =	strace s4  }
0x96: {  	s4 =	sld [smem:$0x3FFD];
	_ =	sdelay $0x3  }
0x97: {  	_ =	strace s4  }
0x98: {  	_ =	strace $0x8FFFFFFF  }
0x99: {  	s19 =	sld [smem:$0x3FDB];
	_ =	sdelay $0x1  }
0x9a: {  	s5 =	simm.s32 $_scs_section_size  }
0x9b: {  	s6 =	simm.s32 $_size__tile_overlayer_lowered;
	s7 =	simm.s32 $_tile_overlayer_lowered  }
0x9c: {  	s22 =	simm.s32 $0x1BFF;
	s21 =	sshll.u32 s7, $0x1;
	s4 =	sadd.s32 s5, s19  }
0x9d: {  	s8 =	simm.s32 $0x0;
	s20 =	sshll.u32 s6, $0x1;
	s6 =	sadd.s32 s21, s4  }
0x9e: {  	[timem:s8], [sflag:s22] =	dma.local [hbm:s6], s20  }
0x9f: {  	_ =	swait.ge [sflag:s22], s20  }
0xa0: {  	s5 =	ssub.s32 $0x0, s20;
	[sflag:s22] =	ssyncset.done $0x0  }
0xa1: {  	[sflag:s22] =	ssyncadd.s32 s5;
	_ =	sdelay $0x1  }
0xa2: {  	s23 =	simm.s32 $0x1B8B  }
0xa3: {  	_ =	swait.ge [sflag:s23], $0x1  }
0xa4: {  	[sflag:s23] =	ssyncset.done $0x0  }
0xa5: {  	s25 =	simm.s32 $0x1B8E;
	s24 =	sld [smem:$0x3FFE];
	[sflag:s23] =	ssyncadd.s32 $0xFFFFFFFF  }
0xa6: {  	s26 =	simm.s32 $execute0_lowered;
	[smem:$0x3FD2] =	sst s25  }
0xa7: {  	s6 =	sshll.u32 s26, $0x1;
	_ =	strace $0x80000046;
	[dreg:$0x1] =	wrdreg $0xFFFFFFFF  }
0xa8: {  	s28 =	simm.s32 $_size_execute0_lowered;
	s4 =	sadd.s32 s4, s6;
	[dreg:$0x0] =	wrdreg $0x0  }
0xa9: {  	s6 =	sshll.u32 s28, $0x1;
	[dreg:$0x2] =	wrdreg s4  }
0xaa: {  	[dreg:$0x3] =	wrdreg s6  }
0xab: {  	[dreg:$0x4] =	wrdreg $0xC0  }
0xac: {  	_ =	task [dreg:s8], $0x5FFFF  }
0xad: {  	[dreg:$0x1] =	wrdreg $0xFFFFFFFF  }
0xae: {  	[dreg:$0x0] =	wrdreg $0x60  }
0xaf: {  	[dreg:$0x2] =	wrdreg s24  }
0xb0: {  	[dreg:$0x3] =	wrdreg s2  }
0xb1: {  	[dreg:$0x4] =	wrdreg s18  }
0xb2: {  	[dreg:$0x5] =	wrdreg $0x9  }
0xb3: {  	_ =	task.clear_ibuf [dreg:s8], $0x6FFFF;
	_ =	strace $0x90000046  }
0xb4: {  	s29 =	simm.s32 $0x9;
	_ =	strace $0x80000048  }
0xb5: {  	_ =	swait.ge [sflag:s29], $0x1  }
0xb6: {  	[sflag:s29] =	ssyncadd.s32 $0xFFFFFFFF  }
0xb7: {  	_ =	strace $0x90000048  }
0xb8: {  	_ =	sfence  }
0xb9: {  	s30 =	sld [smem:$0x0];
	_ =	sdelay $0x2  }
0xba: {  	s31 =	sshll.u32 s1, $0xD;
	s1 =	sshrl.u32 s1, $0x2  }
0xbb: {  	s3 =	sand.u32 $0x4000, s31;
	s1 =	sadd.s32 s1, s30  }
0xbc: {  	s0 =	sor.u32 s3, s0;
	s1 =	sshll.u32 s1, $0x11  }
0xbd: {  	s0 =	sor.u32 s1, s0  }
0xbe: {  	s0 =	sadd.s32 $0x8F2B, s0  }
0xbf: {  	[sflag:s0] =	ssyncadd.remote.s32 $0x1  }
0xc0: {  	_ =	sfence.sel $0xFFFF  }
0xc1: {  	[dreg:$0x0] =	wrdreg $0xFFFFFFFF;
	(pc) =	sbr.abs _section_cstart, $3  }
0xc2: {  	[dreg:$0x1] =	wrdreg $0xFFFFFFFF  }
0xc3: {  	_ =	task.clear_ibuf [dreg:s8], $0x2FFFF;
	_ =	strace $0x9FFFFFFF  }
0xc4: {  	(tm) =	ssettm $0x7FFFFFFF  }
0xc5: {  	_ =	shalt  }
tec
execute0_lowered:
.L_overlay_start_1:
0x0: {  	(tag) =	ssettag $0x1  }
0x1: {  	s0 =	rddreg [dreg:$0x0];
	s3 =	simm.s32 $0x0;
	s1 =	srdreg.scid  }
0x2: {  	s6 =	stileid.u32;
	s14 =	simm.s32 $0x3;
	s16 =	simm.s32 $0x8400  }
0x3: {  	s17 =	simm.s32 $0x80;
	s18 =	simm.s32 $0x400;
	s20 =	simm.s32 $0x1  }
0x4: {  	s21 =	simm.s32 $0x1400;
	s22 =	simm.s32 $0x2400;
	s23 =	simm.s32 $0x2  }
0x5: {  	[smem:$0x7FF] =	sst s3;
	s1 =	sand.u32 $0x1, s1;
	s5 =	sadd.s32 $0x400, s0  }
0x6: {  	s7 =	sshll.u32 s6, $0x1;
	s6 =	sadd.s32 $0x80400, s0;
	s2 =	ssub.s32 $0x2, s1  }
0x7: {  	s8 =	sadd.s32 $0x80C00, s0;
	s10 =	sadd.s32 $0x81400, s0;
	s4 =	sshrl.u32 s2, $0x1  }
0x8: {  	s11 =	sadd.s32 $0x81C00, s0;
	s1 =	sor.u32 s1, s7;
	s2 =	ssub.s32 s2, s4  }
0x9: {  	_ =	strace $0x80000047;
	s7 =	sshll.u32 s1, $0x14;
	s31 =	smax.u32 s2, $0x1  }
0xa: {  	v0 =	vimm.s32 $0x0;
	s9 =	sshll.u32 s1, $0x11;
	s1 =	simm.s32 $0x0;
	[dreg:$0x4] =	wrdreg s31  }
.LBB2_1:
0xb: {  	[dreg:$0x5] =	wrdreg s1  }
0xc: {  	s0 =	rddreg [dreg:$0x1];
	s31 =	simm.s32 $0x3400  }
0xd: {  	[tilespmem:s31], [sflag:$0x3] =	stream.linear.gather [hbm4b:s0+s3], $0x1000, $0x38;
	[tilespmem:$0xC400] =	vst v63  }
0xe: {  	_ =	swait.ge [sflag:s14], $0x1000  }
0xf: {  	[sflag:s14] =	ssyncset.done $0x0  }
0x10: {  	s0 =	simm.s32 $0x20;
	[sflag:s14] =	ssyncadd.s32 $0xFFFFF000  }
0x11: {  	[tilespmem:s0+$0xFFFFFFE0] =	vst v0  }
0x12: {  	[tilespmem:s0+$0x10] =	vst v0  }
0x13: {  	s1 =	simm.s32 $0x0;
	[tilespmem:s0+$0x0] =	vst v0  }
.LBB2_2:
0x14: {  	s1 =	sadd.s32 $0x4, s1  }
0x15: {  	[tilespmem:s0+$0xFFFFFFF0] =	vst v0;
	s0 =	sadd.s32 $0x40, s0;
	p0 =	slt.u32 s1, $0xFC  }
.Ltmp0:
0x16: {  	[tilespmem:s0+$0xFFFFFFE0] =	vst v0;
	(pc) =	sbr.rel @p0 .LBB2_2-.Ltmp0, $3  }
0x17: {  	_ =	sdelay $0x1  }
0x18: {  	[tilespmem:s0+$0x10] =	vst v0  }
0x19: {  	[tilespmem:s0+$0x0] =	vst v0  }
0x1a: {  	[tilespmem:s0+$0xFFFFFFF0] =	vst v0;
	s25 =	simm.s32 $0x0  }
.LBB2_4:
0x1b: {  	s0 =	simm.s32 $0x4400;
	s28 =	sshrl.u32 s25, $0x3  }
0x1c: {  	[tilespmem:s0], [sflag:$0x1] =	stream.linear.gather [hbm4b:s6+s3], $0x4000, $0x38;
	[tilespmem:$0xC400] =	vst v63  }
0x1d: {  	s29 =	sshll.u32 s25, $0x7;
	s1 =	sshll.u32 s28, $0xD  }
0x1e: {  	s26 =	sand.u32 $0x380, s29;
	s30 =	sadd.s32 s9, s1  }
0x1f: {  	[tilespmem:s16], [sflag:$0x2] =	stream.linear.gather [hbm4b:s8+s3], $0x4000, $0x38;
	[tilespmem:$0xC400] =	vst v63  }
0x20: {  	s0 =	sor.u32 s26, s30  }
0x21: {  	s0 =	sshrl.u32 s0, $0x3  }
0x22: {  	s31 =	simm.s32 $0x1000;
	s0 =	sadd.s32 s5, s0  }
0x23: {  	[tilespmem:s31], [sflag:$0x3] =	stream.strided.gather [hbm4b:s0+s17], $0x400, s18, s17, $0x38;
	[tilespmem:$0xC400] =	vst v63  }
0x24: {  	_ =	swait.ge [sflag:s14], $0x400  }
0x25: {  	[sflag:s14] =	ssyncset.done $0x0  }
0x26: {  	s4 =	simm.s32 $0x3420;
	[sflag:s14] =	ssyncadd.s32 $0xFFFFFC00  }
0x27: {  	v3 =	vld [tilespmem:s4+$0x10];
	_ =	sdelay $0x3  }
0x28: {  	s0 =	simm.s32 $0x1420  }
0x29: {  	s1 =	simm.s32 $0x2420;
	v1 =	vld [tilespmem:s4+$0xFFFFFFF0];
	[tilespmem:s0+$0x10] =	vst v3  }
0x2a: {  	[tilespmem:s1+$0x10] =	vst v3;
	v3 =	vld [tilespmem:s4+$0xFFFFFFE0];
	_ =	sdelay $0x2  }
0x2b: {  	v2 =	vld [tilespmem:s4+$0x0]  }
0x2c: {  	s2 =	simm.s32 $0x0;
	[tilespmem:s0+$0xFFFFFFF0] =	vst v1;
	s4 =	simm.s32 $0x3460  }
.LBB2_5:
0x2d: {  	v4 =	vld [tilespmem:s4+$0x10];
	[tilespmem:s0+$0xFFFFFFE0] =	vst v3  }
0x2e: {  	s2 =	sadd.s32 $0x4, s2;
	v5 =	vld [tilespmem:s4+$0xFFFFFFF0];
	[tilespmem:s1+$0xFFFFFFE0] =	vst v3  }
0x2f: {  	p0 =	slt.u32 s2, $0xFC;
	v6 =	vld [tilespmem:s4+$0x0];
	[tilespmem:s1+$0xFFFFFFF0] =	vst v1  }
.Ltmp1:
0x30: {  	v3 =	vld [tilespmem:s4+$0xFFFFFFE0];
	[tilespmem:s0+$0x0] =	vst v2;
	(pc) =	sbr.rel @p0 .LBB2_5-.Ltmp1, $4  }
0x31: {  	s0 =	sadd.s32 $0x40, s0;
	[tilespmem:s1+$0x0] =	vst v2  }
0x32: {  	s1 =	sadd.s32 $0x40, s1;
	[tilespmem:s0+$0x10] =	vst v4  }
0x33: {  	s29 =	simm.s32 $0x0;
	[tilespmem:s1+$0x10] =	vst v4;
	v1 =	vmov v5  }
0x34: {  	s4 =	sadd.s32 $0x40, s4;
	[tilespmem:s0+$0xFFFFFFF0] =	vst v1;
	v2 =	vmov v6  }
0x35: {  	[tilespmem:s0+$0xFFFFFFE0] =	vst v3  }
0x36: {  	[tilespmem:s1+$0xFFFFFFF0] =	vst v1  }
0x37: {  	[tilespmem:s0+$0x0] =	vst v2  }
0x38: {  	[tilespmem:s1+$0xFFFFFFE0] =	vst v3  }
0x39: {  	[tilespmem:s1+$0x0] =	vst v2  }
.LBB2_7:
0x3a: {  	_ =	swait.ge [sflag:s20], $0x4000  }
0x3b: {  	[sflag:s20] =	ssyncset.done $0x0  }
0x3c: {  	s30 =	simm.s32 $0x4500;
	[sflag:s20] =	ssyncadd.s32 $0xFFFFC000  }
0x3d: {  	v1 =	vld [tilespmem:s30+$0xFFFFFF90]  }
0x3e: {  	v4 =	vld [tilespmem:s30+$0xFFFFFFB0]  }
0x3f: {  	v2 =	vld [tilespmem:s30+$0xFFFFFFC0]  }
0x40: {  	v3 =	vld [tilespmem:s30+$0xFFFFFFA0]  }
0x41: {  	v6 =	vld [tilespmem:s30+$0x90]  }
0x42: {  	v5 =	vld [tilespmem:s30+$0xFFFFFFD0]  }
0x43: {  	v9 =	vld [tilespmem:s30+$0xB0]  }
0x44: {  	v7 =	vld [tilespmem:s30+$0xFFFFFFE0]  }
0x45: {  	v21 =	vld [tilespmem:s30+$0xA0]  }
0x46: {  	v32 =	vld [tilespmem:s30+$0x80]  }
0x47: {  	v23 =	vld [tilespmem:s30+$0xFFFFFFF0]  }
0x48: {  	v10 =	vld [tilespmem:s30+$0xC0]  }
0x49: {  	v12 =	vld [tilespmem:s30+$0xF0]  }
0x4a: {  	v14 =	vld [tilespmem:s30+$0xFFFFFF80]  }
0x4b: {  	v16 =	vld [tilespmem:s30+$0x30]  }
0x4c: {  	v17 =	vld [tilespmem:s30+$0x40]  }
0x4d: {  	v13 =	vld [tilespmem:s30+$0xFFFFFF00]  }
0x4e: {  	v18 =	vld [tilespmem:s30+$0x70]  }
0x4f: {  	v19 =	vld [tilespmem:s30+$0xD0]  }
0x50: {  	v22 =	vld [tilespmem:s30+$0xE0]  }
0x51: {  	v25 =	vld [tilespmem:s30+$0xFFFFFF50]  }
0x52: {  	v26 =	vld [tilespmem:s30+$0xFFFFFF60]  }
0x53: {  	v20 =	vld [tilespmem:s30+$0x60]  }
0x54: {  	v27 =	vld [tilespmem:s30+$0x50]  }
0x55: {  	v8 =	vld [tilespmem:s30+$0xFFFFFF10]  }
0x56: {  	v11 =	vld [tilespmem:s30+$0xFFFFFF20]  }
0x57: {  	v29 =	vld [tilespmem:s30+$0x20];
	v15 =	vand.u32 $0x1FFF, v13  }
0x58: {  	v33 =	vld [tilespmem:s30+$0x0];
	v24 =	vand.u32 $0x1FFF, v18  }
0x59: {  	v31 =	vld [tilespmem:s30+$0x10];
	v28 =	vand.u32 $0x1FFF, v20  }
0x5a: {  	v34 =	vld [tilespmem:s30+$0xFFFFFF70];
	v30 =	vand.u32 $0x1FFF, v27  }
0x5b: {  	v35 =	vand.u32 $0x1FFF, v17;
	v36 =	vshra.s32 v13, $0xD;
	v13 =	vld [tilespmem:s30+$0xFFFFFF40]  }
0x5c: {  	v38 =	vand.u32 $0x1FFF, v16;
	v15 =	vld.idx.msk [tilespmem:v15+s3+$0x0], $0xffff  }
0x5d: {  	v40 =	vand.u32 $0x1FFF, v33;
	v24 =	vld.idx.msk [tilespmem:v24+s3+$0x0], $0xffff  }
0x5e: {  	v28 =	vld.idx.msk [tilespmem:v28+s3+$0x0], $0xffff  }
0x5f: {  	v46 =	vand.u32 $0x1FFF, v34;
	v30 =	vld.idx.msk [tilespmem:v30+s3+$0x0], $0xffff  }
0x60: {  	v41 =	vld.idx.msk [tilespmem:v35+s3+$0x0], $0xffff  }
0x61: {  	v47 =	vshra.s32 v18, $0xD;
	v18 =	vld.idx.msk [tilespmem:v38+s3+$0x0], $0xffff  }
0x62: {  	v48 =	vand.u32 $0x1FFF, v29;
	v50 =	vld.idx.msk [tilespmem:v40+s3+$0x0], $0xffff;
	v37 =	vunpack.i.l.bf16.f32 v15  }
0x63: {  	v49 =	vshra.s32 v20, $0xD;
	v39 =	vunpack.i.u.bf16.f32 v15;
	v15 =	vld [tilespmem:s30+$0xFFFFFF30];
	v37 =	vmul.f32 v37, v14  }
0x64: {  	v14 =	vmul.f32 v39, v14;
	v39 =	vld.idx.msk [tilespmem:v46+s3+$0x0], $0xffff  }
0x65: {  	v20 =	vunpack.i.l.bf16.f32 v28;
	[tilespmem:v36+s21+$0x0] =	vst.idx.add.f32.msk $0xffff, v37  }
0x66: {  	v51 =	vand.u32 $0x1FFF, v26;
	v20 =	vmul.f32 v20, v22;
	[tilespmem:v36+s22+$0x0] =	vst.idx.add.f32.msk $0xffff, v14;
	v14 =	vunpack.i.l.bf16.f32 v24  }
0x67: {  	v27 =	vshra.s32 v27, $0xD;
	v37 =	vld.idx.msk [tilespmem:v48+s3+$0x0], $0xffff;
	v24 =	vunpack.i.u.bf16.f32 v24;
	v14 =	vmul.f32 v14, v12  }
0x68: {  	v42 =	vand.u32 $0x1FFF, v25;
	[tilespmem:v49+s21+$0x0] =	vst.idx.add.f32.msk $0xffff, v20;
	v12 =	vmul.f32 v24, v12  }
0x69: {  	[tilespmem:v47+s21+$0x0] =	vst.idx.add.f32.msk $0xffff, v14;
	v14 =	vunpack.i.l.bf16.f32 v30  }
0x6a: {  	v16 =	vshra.s32 v16, $0xD;
	v17 =	vshra.s32 v17, $0xD;
	v14 =	vmul.f32 v14, v19;
	[tilespmem:v47+s22+$0x0] =	vst.idx.add.f32.msk $0xffff, v12  }
0x6b: {  	v55 =	vand.u32 $0x1FFF, v11;
	v52 =	vand.u32 $0x1FFF, v13;
	v12 =	vunpack.i.u.bf16.f32 v28;
	v28 =	vld.idx.msk [tilespmem:v51+s3+$0x0], $0xffff  }
0x6c: {  	v56 =	vand.u32 $0x1FFF, v8;
	v54 =	vmul.f32 v12, v22;
	v12 =	vunpack.i.u.bf16.f32 v30;
	[tilespmem:v27+s21+$0x0] =	vst.idx.add.f32.msk $0xffff, v14  }
0x6d: {  	v57 =	vunpack.i.l.bf16.f32 v41;
	v14 =	vshra.s32 v26, $0xD;
	v19 =	vmul.f32 v12, v19;
	v26 =	vld.idx.msk [tilespmem:v42+s3+$0x0], $0xffff  }
0x6e: {  	v60 =	vunpack.i.l.bf16.f32 v50;
	v24 =	vand.u32 $0x1FFF, v31;
	v53 =	vand.u32 $0x1FFF, v15;
	[tilespmem:v49+s22+$0x0] =	vst.idx.add.f32.msk $0xffff, v54  }
0x6f: {  	v12 =	vshra.s32 v25, $0xD;
	v25 =	vshra.s32 v31, $0xD;
	v31 =	vmul.f32 v57, v10;
	[tilespmem:v27+s22+$0x0] =	vst.idx.add.f32.msk $0xffff, v19  }
0x70: {  	v59 =	vunpack.i.l.bf16.f32 v37;
	v62 =	vunpack.i.u.bf16.f32 v37;
	v30 =	vshra.s32 v29, $0xD;
	v19 =	vld.idx.msk [tilespmem:v52+s3+$0x0], $0xffff  }
0x71: {  	v61 =	vmul.f32 v59, v21;
	v35 =	vmul.f32 v62, v21;
	v21 =	vunpack.i.u.bf16.f32 v50;
	[tilespmem:v17+s21+$0x0] =	vst.idx.add.f32.msk $0xffff, v31  }
0x72: {  	v27 =	vunpack.i.u.bf16.f32 v39;
	v31 =	vmul.f32 v60, v32;
	v32 =	vmul.f32 v21, v32;
	v21 =	vld.idx.msk [tilespmem:v56+s3+$0x0], $0xffff  }
0x73: {  	v20 =	vshra.s32 v34, $0xD;
	v58 =	vunpack.i.l.bf16.f32 v39;
	v29 =	vmul.f32 v27, v23;
	v27 =	vld.idx.msk [tilespmem:v53+s3+$0x0], $0xffff  }
0x74: {  	v22 =	vshra.s32 v33, $0xD;
	v33 =	vmul.f32 v58, v23;
	v63 =	vunpack.i.l.bf16.f32 v28;
	v23 =	vld.idx.msk [tilespmem:v55+s3+$0x0], $0xffff  }
0x75: {  	s0 =	simm.s32 $0x0;
	v34 =	vunpack.i.u.bf16.f32 v41;
	v28 =	vunpack.i.u.bf16.f32 v28;
	[tilespmem:v30+s21+$0x0] =	vst.idx.add.f32.msk $0xffff, v61;
	v36 =	vmul.f32 v63, v7  }
.LBB2_8:
0x76: {  	s0 =	sadd.s32 $0x10, s0;
	v24 =	vld.idx.msk [tilespmem:v24+s3+$0x0], $0xffff;
	s30 =	sadd.s32 $0x200, s30  }
0x77: {  	v15 =	vshra.s32 v15, $0xD;
	p0 =	slt.u32 s0, $0x1F0;
	[tilespmem:v14+s21+$0x0] =	vst.idx.add.f32.msk $0xffff, v36  }
0x78: {  	v10 =	vmul.f32 v34, v10;
	[tilespmem:v30+s22+$0x0] =	vst.idx.add.f32.msk $0xffff, v35  }
0x79: {  	v13 =	vshra.s32 v13, $0xD;
	v30 =	vunpack.i.l.bf16.f32 v18;
	[tilespmem:v20+s21+$0x0] =	vst.idx.add.f32.msk $0xffff, v33  }
0x7a: {  	v18 =	vunpack.i.u.bf16.f32 v18;
	[tilespmem:v20+s22+$0x0] =	vst.idx.add.f32.msk $0xffff, v29;
	v20 =	vmul.f32 v30, v9  }
0x7b: {  	v29 =	vunpack.i.l.bf16.f32 v21;
	v9 =	vmul.f32 v18, v9;
	[tilespmem:v22+s21+$0x0] =	vst.idx.add.f32.msk $0xffff, v31  }
0x7c: {  	v18 =	vunpack.i.u.bf16.f32 v26;
	v26 =	vunpack.i.l.bf16.f32 v26;
	v30 =	vunpack.i.l.bf16.f32 v24;
	[tilespmem:v16+s21+$0x0] =	vst.idx.add.f32.msk $0xffff, v20  }
0x7d: {  	v24 =	vunpack.i.u.bf16.f32 v24;
	v20 =	vmul.f32 v26, v5;
	v26 =	vmul.f32 v30, v6;
	[tilespmem:v16+s22+$0x0] =	vst.idx.add.f32.msk $0xffff, v9  }
0x7e: {  	v5 =	vmul.f32 v18, v5;
	v6 =	vmul.f32 v24, v6;
	[tilespmem:v22+s22+$0x0] =	vst.idx.add.f32.msk $0xffff, v32  }
0x7f: {  	v7 =	vmul.f32 v28, v7;
	v9 =	vunpack.i.l.bf16.f32 v23;
	v16 =	vunpack.i.l.bf16.f32 v19;
	[tilespmem:v25+s21+$0x0] =	vst.idx.add.f32.msk $0xffff, v26  }
0x80: {  	v11 =	vshra.s32 v11, $0xD;
	v9 =	vmul.f32 v9, v3;
	v16 =	vmul.f32 v16, v2;
	[tilespmem:v25+s22+$0x0] =	vst.idx.add.f32.msk $0xffff, v6  }
0x81: {  	[tilespmem:v17+s22+$0x0] =	vst.idx.add.f32.msk $0xffff, v10  }
0x82: {  	v6 =	vunpack.i.l.bf16.f32 v27;
	[tilespmem:v14+s22+$0x0] =	vst.idx.add.f32.msk $0xffff, v7  }
0x83: {  	v6 =	vmul.f32 v6, v4;
	v7 =	vunpack.i.u.bf16.f32 v27;
	[tilespmem:v13+s21+$0x0] =	vst.idx.add.f32.msk $0xffff, v16  }
0x84: {  	v8 =	vshra.s32 v8, $0xD;
	v10 =	vunpack.i.u.bf16.f32 v23;
	v4 =	vmul.f32 v7, v4;
	[tilespmem:v12+s21+$0x0] =	vst.idx.add.f32.msk $0xffff, v20  }
0x85: {  	v14 =	vmul.f32 v29, v1;
	v3 =	vmul.f32 v10, v3;
	v7 =	vunpack.i.u.bf16.f32 v21;
	[tilespmem:v11+s21+$0x0] =	vst.idx.add.f32.msk $0xffff, v9  }
0x86: {  	v1 =	vmul.f32 v7, v1;
	[tilespmem:v15+s21+$0x0] =	vst.idx.add.f32.msk $0xffff, v6;
	v6 =	vunpack.i.u.bf16.f32 v19  }
0x87: {  	[tilespmem:v15+s22+$0x0] =	vst.idx.add.f32.msk $0xffff, v4;
	v2 =	vmul.f32 v6, v2  }
0x88: {  	[tilespmem:v12+s22+$0x0] =	vst.idx.add.f32.msk $0xffff, v5  }
0x89: {  	[tilespmem:v13+s22+$0x0] =	vst.idx.add.f32.msk $0xffff, v2  }
0x8a: {  	[tilespmem:v8+s21+$0x0] =	vst.idx.add.f32.msk $0xffff, v14  }
0x8b: {  	[tilespmem:v8+s22+$0x0] =	vst.idx.add.f32.msk $0xffff, v1  }
0x8c: {  	[tilespmem:v11+s22+$0x0] =	vst.idx.add.f32.msk $0xffff, v3  }
0x8d: {  	v1 =	vld [tilespmem:s30+$0xFFFFFF90]  }
0x8e: {  	v4 =	vld [tilespmem:s30+$0xFFFFFFB0]  }
0x8f: {  	v2 =	vld [tilespmem:s30+$0xFFFFFFC0]  }
0x90: {  	v3 =	vld [tilespmem:s30+$0xFFFFFFA0]  }
0x91: {  	v6 =	vld [tilespmem:s30+$0x90]  }
0x92: {  	v5 =	vld [tilespmem:s30+$0xFFFFFFD0]  }
0x93: {  	v9 =	vld [tilespmem:s30+$0xB0]  }
0x94: {  	v7 =	vld [tilespmem:s30+$0xFFFFFFE0]  }
0x95: {  	v23 =	vld [tilespmem:s30+$0xA0]  }
0x96: {  	v21 =	vld [tilespmem:s30+$0x80]  }
0x97: {  	v19 =	vld [tilespmem:s30+$0xFFFFFFF0]  }
0x98: {  	v10 =	vld [tilespmem:s30+$0xC0]  }
0x99: {  	v26 =	vld [tilespmem:s30+$0xF0]  }
0x9a: {  	v12 =	vld [tilespmem:s30+$0xFFFFFF80]  }
0x9b: {  	v14 =	vld [tilespmem:s30+$0x30]  }
0x9c: {  	v17 =	vld [tilespmem:s30+$0x40]  }
0x9d: {  	v13 =	vld [tilespmem:s30+$0xFFFFFF00]  }
0x9e: {  	v15 =	vld [tilespmem:s30+$0x70]  }
0x9f: {  	v27 =	vld [tilespmem:s30+$0xD0]  }
0xa0: {  	v25 =	vld [tilespmem:s30+$0xE0]  }
0xa1: {  	v18 =	vld [tilespmem:s30+$0xFFFFFF50]  }
0xa2: {  	v16 =	vand.u32 $0x1FFF, v13;
	v22 =	vld [tilespmem:s30+$0xFFFFFF60]  }
0xa3: {  	v28 =	vld [tilespmem:s30+$0x60];
	v20 =	vand.u32 $0x1FFF, v15  }
0xa4: {  	v29 =	vld [tilespmem:s30+$0x50]  }
0xa5: {  	v8 =	vld [tilespmem:s30+$0xFFFFFF10]  }
0xa6: {  	v11 =	vld [tilespmem:s30+$0xFFFFFF20]  }
0xa7: {  	v16 =	vld.idx.msk [tilespmem:v16+s3+$0x0], $0xffff  }
0xa8: {  	v24 =	vand.u32 $0x1FFF, v28;
	v20 =	vld.idx.msk [tilespmem:v20+s3+$0x0], $0xffff  }
0xa9: {  	v30 =	vld [tilespmem:s30+$0x20];
	v31 =	vand.u32 $0x1FFF, v29  }
0xaa: {  	v32 =	vld [tilespmem:s30+$0x10]  }
0xab: {  	v33 =	vld [tilespmem:s30+$0x0]  }
0xac: {  	v36 =	vand.u32 $0x1FFF, v17;
	v34 =	vshra.s32 v13, $0xD;
	v37 =	vshra.s32 v15, $0xD;
	v35 =	vld [tilespmem:s30+$0xFFFFFF70]  }
0xad: {  	v38 =	vand.u32 $0x1FFF, v14;
	v13 =	vunpack.i.u.bf16.f32 v16;
	v15 =	vunpack.i.l.bf16.f32 v16;
	v39 =	vld.idx.msk [tilespmem:v24+s3+$0x0], $0xffff  }
0xae: {  	v40 =	vmul.f32 v13, v12;
	v16 =	vunpack.i.l.bf16.f32 v20;
	v41 =	vand.u32 $0x1FFF, v30;
	v31 =	vld.idx.msk [tilespmem:v31+s3+$0x0], $0xffff  }
0xaf: {  	v42 =	vunpack.i.u.bf16.f32 v20;
	v43 =	vmul.f32 v16, v26;
	v13 =	vld [tilespmem:s30+$0xFFFFFF40];
	v24 =	vand.u32 $0x1FFF, v32  }
0xb0: {  	v12 =	vmul.f32 v15, v12;
	v16 =	vshra.s32 v14, $0xD;
	v15 =	vld [tilespmem:s30+$0xFFFFFF30];
	v44 =	vand.u32 $0x1FFF, v33  }
0xb1: {  	v45 =	vshra.s32 v29, $0xD;
	v20 =	vshra.s32 v35, $0xD;
	v35 =	vand.u32 $0x1FFF, v35;
	v36 =	vld.idx.msk [tilespmem:v36+s3+$0x0], $0xffff  }
0xb2: {  	v28 =	vshra.s32 v28, $0xD;
	v29 =	vand.u32 $0x1FFF, v22;
	v14 =	vshra.s32 v22, $0xD;
	[tilespmem:v34+s21+$0x0] =	vst.idx.add.f32.msk $0xffff, v12  }
0xb3: {  	v12 =	vshra.s32 v18, $0xD;
	[tilespmem:v34+s22+$0x0] =	vst.idx.add.f32.msk $0xffff, v40;
	v34 =	vand.u32 $0x1FFF, v18;
	v40 =	vunpack.i.l.bf16.f32 v39  }
0xb4: {  	v39 =	vunpack.i.u.bf16.f32 v39;
	v46 =	vand.u32 $0x1FFF, v13;
	v18 =	vld.idx.msk [tilespmem:v38+s3+$0x0], $0xffff;
	v38 =	vunpack.i.l.bf16.f32 v31  }
0xb5: {  	v22 =	vshra.s32 v33, $0xD;
	v33 =	vmul.f32 v39, v25;
	v47 =	vand.u32 $0x1FFF, v15;
	v44 =	vld.idx.msk [tilespmem:v44+s3+$0x0], $0xffff  }
0xb6: {  	v17 =	vshra.s32 v17, $0xD;
	v39 =	vand.u32 $0x1FFF, v11;
	v38 =	vmul.f32 v38, v27;
	v35 =	vld.idx.msk [tilespmem:v35+s3+$0x0], $0xffff  }
0xb7: {  	v48 =	vand.u32 $0x1FFF, v8;
	v40 =	vmul.f32 v40, v25;
	v49 =	vunpack.i.l.bf16.f32 v36;
	[tilespmem:v37+s21+$0x0] =	vst.idx.add.f32.msk $0xffff, v43  }
0xb8: {  	v26 =	vmul.f32 v42, v26;
	v25 =	vshra.s32 v32, $0xD;
	v31 =	vunpack.i.u.bf16.f32 v31;
	v32 =	vld.idx.msk [tilespmem:v41+s3+$0x0], $0xffff  }
0xb9: {  	v27 =	vmul.f32 v31, v27;
	[tilespmem:v28+s21+$0x0] =	vst.idx.add.f32.msk $0xffff, v40  }
0xba: {  	v40 =	vmul.f32 v49, v10;
	[tilespmem:v37+s22+$0x0] =	vst.idx.add.f32.msk $0xffff, v26  }
0xbb: {  	v31 =	vunpack.i.l.bf16.f32 v44;
	v37 =	vld.idx.msk [tilespmem:v29+s3+$0x0], $0xffff  }
0xbc: {  	v29 =	vunpack.i.u.bf16.f32 v35;
	[tilespmem:v45+s21+$0x0] =	vst.idx.add.f32.msk $0xffff, v38  }
0xbd: {  	v26 =	vld.idx.msk [tilespmem:v34+s3+$0x0], $0xffff;
	v34 =	vunpack.i.l.bf16.f32 v35  }
0xbe: {  	v30 =	vshra.s32 v30, $0xD;
	v29 =	vmul.f32 v29, v19;
	v38 =	vunpack.i.l.bf16.f32 v32;
	[tilespmem:v28+s22+$0x0] =	vst.idx.add.f32.msk $0xffff, v33  }
0xbf: {  	v33 =	vmul.f32 v34, v19;
	[tilespmem:v45+s22+$0x0] =	vst.idx.add.f32.msk $0xffff, v27  }
0xc0: {  	v31 =	vmul.f32 v31, v21;
	v28 =	vunpack.i.u.bf16.f32 v32;
	v19 =	vld.idx.msk [tilespmem:v46+s3+$0x0], $0xffff  }
.Ltmp2:
0xc1: {  	v34 =	vunpack.i.u.bf16.f32 v36;
	v35 =	vmul.f32 v28, v23;
	v41 =	vunpack.i.l.bf16.f32 v37;
	v27 =	vld.idx.msk [tilespmem:v47+s3+$0x0], $0xffff;
	(pc) =	sbr.rel @p0 .LBB2_8-.Ltmp2, $4  }
0xc2: {  	v32 =	vunpack.i.u.bf16.f32 v44;
	v36 =	vmul.f32 v38, v23;
	v28 =	vunpack.i.u.bf16.f32 v37;
	[tilespmem:v17+s21+$0x0] =	vst.idx.add.f32.msk $0xffff, v40  }
0xc3: {  	v32 =	vmul.f32 v32, v21;
	v23 =	vld.idx.msk [tilespmem:v39+s3+$0x0], $0xffff  }
0xc4: {  	[tilespmem:v30+s21+$0x0] =	vst.idx.add.f32.msk $0xffff, v36  }
0xc5: {  	v36 =	vmul.f32 v41, v7;
	v21 =	vld.idx.msk [tilespmem:v48+s3+$0x0], $0xffff  }
0xc6: {  	_ =	sdelay $0x3  }
0xc7: {  	v24 =	vld.idx.msk [tilespmem:v24+s3+$0x0], $0xffff  }
0xc8: {  	[tilespmem:v30+s22+$0x0] =	vst.idx.add.f32.msk $0xffff, v35  }
0xc9: {  	[tilespmem:v20+s21+$0x0] =	vst.idx.add.f32.msk $0xffff, v33  }
0xca: {  	[tilespmem:v22+s21+$0x0] =	vst.idx.add.f32.msk $0xffff, v31  }
0xcb: {  	v30 =	vunpack.i.l.bf16.f32 v18;
	[tilespmem:v14+s21+$0x0] =	vst.idx.add.f32.msk $0xffff, v36  }
0xcc: {  	v18 =	vunpack.i.u.bf16.f32 v18;
	[tilespmem:v20+s22+$0x0] =	vst.idx.add.f32.msk $0xffff, v29;
	v20 =	vmul.f32 v30, v9  }
0xcd: {  	v9 =	vmul.f32 v18, v9;
	[tilespmem:v22+s22+$0x0] =	vst.idx.add.f32.msk $0xffff, v32  }
0xce: {  	v10 =	vmul.f32 v34, v10;
	[tilespmem:v16+s21+$0x0] =	vst.idx.add.f32.msk $0xffff, v20;
	v18 =	vunpack.i.l.bf16.f32 v24  }
0xcf: {  	[tilespmem:v16+s22+$0x0] =	vst.idx.add.f32.msk $0xffff, v9;
	v9 =	vshra.s32 v13, $0xD;
	v20 =	vunpack.i.u.bf16.f32 v24;
	v18 =	vmul.f32 v18, v6  }
0xd0: {  	[tilespmem:v17+s22+$0x0] =	vst.idx.add.f32.msk $0xffff, v10;
	v6 =	vmul.f32 v20, v6  }
0xd1: {  	v7 =	vmul.f32 v28, v7;
	v11 =	vshra.s32 v11, $0xD;
	v13 =	vunpack.i.l.bf16.f32 v19;
	[tilespmem:v25+s21+$0x0] =	vst.idx.add.f32.msk $0xffff, v18  }
0xd2: {  	v13 =	vmul.f32 v13, v2;
	[tilespmem:v25+s22+$0x0] =	vst.idx.add.f32.msk $0xffff, v6;
	v6 =	vshra.s32 v15, $0xD;
	v15 =	vunpack.i.l.bf16.f32 v26  }
0xd3: {  	[tilespmem:v14+s22+$0x0] =	vst.idx.add.f32.msk $0xffff, v7;
	v10 =	vmul.f32 v15, v5;
	v15 =	vunpack.i.l.bf16.f32 v23  }
0xd4: {  	v14 =	vunpack.i.l.bf16.f32 v27;
	[tilespmem:v9+s21+$0x0] =	vst.idx.add.f32.msk $0xffff, v13;
	v7 =	vmul.f32 v15, v3  }
0xd5: {  	v14 =	vmul.f32 v14, v4;
	v13 =	vunpack.i.u.bf16.f32 v27;
	[tilespmem:v12+s21+$0x0] =	vst.idx.add.f32.msk $0xffff, v10  }
0xd6: {  	v8 =	vshra.s32 v8, $0xD;
	v4 =	vmul.f32 v13, v4;
	v10 =	vunpack.i.u.bf16.f32 v26;
	[tilespmem:v11+s21+$0x0] =	vst.idx.add.f32.msk $0xffff, v7  }
0xd7: {  	v5 =	vmul.f32 v10, v5;
	v7 =	vunpack.i.u.bf16.f32 v19;
	[tilespmem:v6+s21+$0x0] =	vst.idx.add.f32.msk $0xffff, v14  }
0xd8: {  	v10 =	vunpack.i.l.bf16.f32 v21;
	v2 =	vmul.f32 v7, v2;
	[tilespmem:v6+s22+$0x0] =	vst.idx.add.f32.msk $0xffff, v4  }
0xd9: {  	v4 =	vunpack.i.u.bf16.f32 v21;
	v6 =	vmul.f32 v10, v1;
	[tilespmem:v12+s22+$0x0] =	vst.idx.add.f32.msk $0xffff, v5  }
0xda: {  	v5 =	vunpack.i.u.bf16.f32 v23;
	v1 =	vmul.f32 v4, v1;
	[tilespmem:v9+s22+$0x0] =	vst.idx.add.f32.msk $0xffff, v2  }
0xdb: {  	v2 =	vmul.f32 v5, v3;
	[tilespmem:v8+s21+$0x0] =	vst.idx.add.f32.msk $0xffff, v6  }
0xdc: {  	s30 =	sshll.u32 s29, $0xC;
	p0 =	seq.s32 s29, $0xC;
	[tilespmem:v8+s22+$0x0] =	vst.idx.add.f32.msk $0xffff, v1  }
0xdd: {  	s0 =	sadd.s32 @!p0 s30, s10;
	s1 =	simm.s32 @!p0 $0x0;
	s2 =	simm.s32 @!p0 $0x4400;
	[tilespmem:v11+s22+$0x0] =	vst.idx.add.f32.msk $0xffff, v2  }
0xde: {  	[tilespmem:s2], [sflag:$0x1] =	stream.linear.gather @!p0 [hbm4b:s0+s1], $0x4000, $0x38;
	[tilespmem:$0xC400] =	vst v63  }
0xdf: {  	_ =	swait.ge [sflag:s23], $0x4000  }
0xe0: {  	[sflag:s23] =	ssyncset.done $0x0  }
0xe1: {  	s31 =	simm.s32 $0x8400;
	[sflag:s23] =	ssyncadd.s32 $0xFFFFC000  }
0xe2: {  	v1 =	vld [tilespmem:s31+$0x90]  }
0xe3: {  	v4 =	vld [tilespmem:s31+$0xB0]  }
0xe4: {  	v2 =	vld [tilespmem:s31+$0xC0]  }
0xe5: {  	v3 =	vld [tilespmem:s31+$0xA0]  }
0xe6: {  	v6 =	vld [tilespmem:s31+$0x190]  }
0xe7: {  	v5 =	vld [tilespmem:s31+$0xD0]  }
0xe8: {  	v9 =	vld [tilespmem:s31+$0x1B0]  }
0xe9: {  	v7 =	vld [tilespmem:s31+$0xE0]  }
0xea: {  	v21 =	vld [tilespmem:s31+$0x1A0]  }
0xeb: {  	v32 =	vld [tilespmem:s31+$0x180]  }
0xec: {  	v23 =	vld [tilespmem:s31+$0xF0]  }
0xed: {  	v10 =	vld [tilespmem:s31+$0x1C0]  }
0xee: {  	v12 =	vld [tilespmem:s31+$0x1F0]  }
0xef: {  	v14 =	vld [tilespmem:s31+$0x80]  }
0xf0: {  	v16 =	vld [tilespmem:s31+$0x130]  }
0xf1: {  	v17 =	vld [tilespmem:s31+$0x140]  }
0xf2: {  	v13 =	vld [tilespmem:s31+$0x0]  }
0xf3: {  	v18 =	vld [tilespmem:s31+$0x170]  }
0xf4: {  	v19 =	vld [tilespmem:s31+$0x1D0]  }
0xf5: {  	v22 =	vld [tilespmem:s31+$0x1E0]  }
0xf6: {  	v25 =	vld [tilespmem:s31+$0x50]  }
0xf7: {  	v26 =	vld [tilespmem:s31+$0x60]  }
0xf8: {  	v20 =	vld [tilespmem:s31+$0x160]  }
0xf9: {  	v27 =	vld [tilespmem:s31+$0x150]  }
0xfa: {  	v8 =	vld [tilespmem:s31+$0x10]  }
0xfb: {  	v11 =	vld [tilespmem:s31+$0x20]  }
0xfc: {  	v29 =	vld [tilespmem:s31+$0x120];
	v15 =	vand.u32 $0x1FFF, v13  }
0xfd: {  	v62 =	vld [tilespmem:s31+$0x100];
	v24 =	vand.u32 $0x1FFF, v18  }
0xfe: {  	v31 =	vld [tilespmem:s31+$0x110];
	v28 =	vand.u32 $0x1FFF, v20  }
0xff: {  	v63 =	vld [tilespmem:s31+$0x70];
	v30 =	vand.u32 $0x1FFF, v27  }
0x100: {  	v44 =	vand.u32 $0x1FFF, v17;
	v45 =	vshra.s32 v13, $0xD;
	v13 =	vld [tilespmem:s31+$0x40]  }
0x101: {  	v38 =	vand.u32 $0x1FFF, v16;
	v15 =	vld.idx.msk [tilespmem:v15+s3+$0x0], $0xffff  }
0x102: {  	v40 =	vand.u32 $0x1FFF, v62;
	v24 =	vld.idx.msk [tilespmem:v24+s3+$0x0], $0xffff  }
0x103: {  	v28 =	vld.idx.msk [tilespmem:v28+s3+$0x0], $0xffff  }
0x104: {  	v46 =	vand.u32 $0x1FFF, v63;
	v30 =	vld.idx.msk [tilespmem:v30+s3+$0x0], $0xffff  }
0x105: {  	v41 =	vld.idx.msk [tilespmem:v44+s3+$0x0], $0xffff  }
0x106: {  	v47 =	vshra.s32 v18, $0xD;
	v18 =	vld.idx.msk [tilespmem:v38+s3+$0x0], $0xffff  }
0x107: {  	v48 =	vand.u32 $0x1FFF, v29;
	v50 =	vld.idx.msk [tilespmem:v40+s3+$0x0], $0xffff;
	v37 =	vunpack.i.l.bf16.f32 v15  }
0x108: {  	v49 =	vshra.s32 v20, $0xD;
	v39 =	vunpack.i.u.bf16.f32 v15;
	v15 =	vld [tilespmem:s31+$0x30];
	v37 =	vmul.f32 v37, v14  }
0x109: {  	v14 =	vmul.f32 v39, v14;
	v39 =	vld.idx.msk [tilespmem:v46+s3+$0x0], $0xffff  }
0x10a: {  	v20 =	vunpack.i.l.bf16.f32 v28;
	[tilespmem:v45+s21+$0x0] =	vst.idx.add.f32.msk $0xffff, v37  }
0x10b: {  	v51 =	vand.u32 $0x1FFF, v26;
	v20 =	vmul.f32 v20, v22;
	[tilespmem:v45+s22+$0x0] =	vst.idx.add.f32.msk $0xffff, v14;
	v14 =	vunpack.i.l.bf16.f32 v24  }
0x10c: {  	v27 =	vshra.s32 v27, $0xD;
	v37 =	vld.idx.msk [tilespmem:v48+s3+$0x0], $0xffff;
	v24 =	vunpack.i.u.bf16.f32 v24;
	v14 =	vmul.f32 v14, v12  }
0x10d: {  	v42 =	vand.u32 $0x1FFF, v25;
	[tilespmem:v49+s21+$0x0] =	vst.idx.add.f32.msk $0xffff, v20;
	v12 =	vmul.f32 v24, v12  }
0x10e: {  	[tilespmem:v47+s21+$0x0] =	vst.idx.add.f32.msk $0xffff, v14;
	v14 =	vunpack.i.l.bf16.f32 v30  }
0x10f: {  	v17 =	vshra.s32 v17, $0xD;
	v55 =	vand.u32 $0x1FFF, v11;
	v14 =	vmul.f32 v14, v19;
	[tilespmem:v47+s22+$0x0] =	vst.idx.add.f32.msk $0xffff, v12  }
0x110: {  	v56 =	vand.u32 $0x1FFF, v8;
	v52 =	vand.u32 $0x1FFF, v13;
	v12 =	vunpack.i.u.bf16.f32 v28;
	v28 =	vld.idx.msk [tilespmem:v51+s3+$0x0], $0xffff  }
0x111: {  	v57 =	vunpack.i.l.bf16.f32 v41;
	v54 =	vmul.f32 v12, v22;
	v12 =	vunpack.i.u.bf16.f32 v30;
	[tilespmem:v27+s21+$0x0] =	vst.idx.add.f32.msk $0xffff, v14  }
0x112: {  	v60 =	vunpack.i.l.bf16.f32 v50;
	v14 =	vshra.s32 v26, $0xD;
	v19 =	vmul.f32 v12, v19;
	v26 =	vld.idx.msk [tilespmem:v42+s3+$0x0], $0xffff  }
0x113: {  	v24 =	vand.u32 $0x1FFF, v31;
	v53 =	vand.u32 $0x1FFF, v15;
	v59 =	vunpack.i.l.bf16.f32 v37;
	[tilespmem:v49+s22+$0x0] =	vst.idx.add.f32.msk $0xffff, v54  }
0x114: {  	v12 =	vshra.s32 v25, $0xD;
	v25 =	vshra.s32 v31, $0xD;
	v31 =	vmul.f32 v57, v10;
	[tilespmem:v27+s22+$0x0] =	vst.idx.add.f32.msk $0xffff, v19  }
0x115: {  	v22 =	vshra.s32 v62, $0xD;
	v30 =	vshra.s32 v29, $0xD;
	v62 =	vunpack.i.u.bf16.f32 v37;
	v19 =	vld.idx.msk [tilespmem:v52+s3+$0x0], $0xffff  }
0x116: {  	v61 =	vmul.f32 v59, v21;
	v35 =	vmul.f32 v62, v21;
	v21 =	vunpack.i.u.bf16.f32 v50;
	[tilespmem:v17+s21+$0x0] =	vst.idx.add.f32.msk $0xffff, v31  }
0x117: {  	v27 =	vunpack.i.u.bf16.f32 v39;
	v31 =	vmul.f32 v60, v32;
	v32 =	vmul.f32 v21, v32;
	v21 =	vld.idx.msk [tilespmem:v56+s3+$0x0], $0xffff  }
0x118: {  	v16 =	vshra.s32 v16, $0xD;
	v58 =	vunpack.i.l.bf16.f32 v39;
	v29 =	vmul.f32 v27, v23;
	v27 =	vld.idx.msk [tilespmem:v53+s3+$0x0], $0xffff  }
0x119: {  	v20 =	vshra.s32 v63, $0xD;
	v33 =	vmul.f32 v58, v23;
	v63 =	vunpack.i.l.bf16.f32 v28;
	v23 =	vld.idx.msk [tilespmem:v55+s3+$0x0], $0xffff  }
0x11a: {  	s0 =	simm.s32 $0x0;
	v34 =	vunpack.i.u.bf16.f32 v41;
	v28 =	vunpack.i.u.bf16.f32 v28;
	[tilespmem:v30+s21+$0x0] =	vst.idx.add.f32.msk $0xffff, v61;
	v36 =	vmul.f32 v63, v7  }
.LBB2_10:
0x11b: {  	s0 =	sadd.s32 $0x10, s0;
	v24 =	vld.idx.msk [tilespmem:v24+s3+$0x0], $0xffff;
	s31 =	sadd.s32 $0x200, s31  }
0x11c: {  	v15 =	vshra.s32 v15, $0xD;
	p1 =	slt.u32 s0, $0x1F0;
	[tilespmem:v14+s21+$0x0] =	vst.idx.add.f32.msk $0xffff, v36  }
0x11d: {  	v10 =	vmul.f32 v34, v10;
	[tilespmem:v30+s22+$0x0] =	vst.idx.add.f32.msk $0xffff, v35  }
0x11e: {  	v13 =	vshra.s32 v13, $0xD;
	v30 =	vunpack.i.l.bf16.f32 v18;
	[tilespmem:v20+s21+$0x0] =	vst.idx.add.f32.msk $0xffff, v33  }
0x11f: {  	v18 =	vunpack.i.u.bf16.f32 v18;
	[tilespmem:v20+s22+$0x0] =	vst.idx.add.f32.msk $0xffff, v29;
	v20 =	vmul.f32 v30, v9  }
0x120: {  	v29 =	vunpack.i.l.bf16.f32 v21;
	v9 =	vmul.f32 v18, v9;
	[tilespmem:v22+s21+$0x0] =	vst.idx.add.f32.msk $0xffff, v31  }
0x121: {  	v18 =	vunpack.i.u.bf16.f32 v26;
	v26 =	vunpack.i.l.bf16.f32 v26;
	v30 =	vunpack.i.l.bf16.f32 v24;
	[tilespmem:v16+s21+$0x0] =	vst.idx.add.f32.msk $0xffff, v20  }
0x122: {  	v24 =	vunpack.i.u.bf16.f32 v24;
	v20 =	vmul.f32 v26, v5;
	v26 =	vmul.f32 v30, v6;
	[tilespmem:v16+s22+$0x0] =	vst.idx.add.f32.msk $0xffff, v9  }
0x123: {  	v5 =	vmul.f32 v18, v5;
	v6 =	vmul.f32 v24, v6;
	[tilespmem:v22+s22+$0x0] =	vst.idx.add.f32.msk $0xffff, v32  }
0x124: {  	v7 =	vmul.f32 v28, v7;
	v9 =	vunpack.i.l.bf16.f32 v23;
	v16 =	vunpack.i.l.bf16.f32 v19;
	[tilespmem:v25+s21+$0x0] =	vst.idx.add.f32.msk $0xffff, v26  }
0x125: {  	v11 =	vshra.s32 v11, $0xD;
	v9 =	vmul.f32 v9, v3;
	v16 =	vmul.f32 v16, v2;
	[tilespmem:v25+s22+$0x0] =	vst.idx.add.f32.msk $0xffff, v6  }
0x126: {  	[tilespmem:v17+s22+$0x0] =	vst.idx.add.f32.msk $0xffff, v10  }
0x127: {  	v6 =	vunpack.i.l.bf16.f32 v27;
	[tilespmem:v14+s22+$0x0] =	vst.idx.add.f32.msk $0xffff, v7  }
0x128: {  	v6 =	vmul.f32 v6, v4;
	v7 =	vunpack.i.u.bf16.f32 v27;
	[tilespmem:v13+s21+$0x0] =	vst.idx.add.f32.msk $0xffff, v16  }
0x129: {  	v8 =	vshra.s32 v8, $0xD;
	v10 =	vunpack.i.u.bf16.f32 v23;
	v4 =	vmul.f32 v7, v4;
	[tilespmem:v12+s21+$0x0] =	vst.idx.add.f32.msk $0xffff, v20  }
0x12a: {  	v14 =	vmul.f32 v29, v1;
	v3 =	vmul.f32 v10, v3;
	v7 =	vunpack.i.u.bf16.f32 v21;
	[tilespmem:v11+s21+$0x0] =	vst.idx.add.f32.msk $0xffff, v9  }
0x12b: {  	v1 =	vmul.f32 v7, v1;
	[tilespmem:v15+s21+$0x0] =	vst.idx.add.f32.msk $0xffff, v6;
	v6 =	vunpack.i.u.bf16.f32 v19  }
0x12c: {  	[tilespmem:v15+s22+$0x0] =	vst.idx.add.f32.msk $0xffff, v4;
	v2 =	vmul.f32 v6, v2  }
0x12d: {  	[tilespmem:v12+s22+$0x0] =	vst.idx.add.f32.msk $0xffff, v5  }
0x12e: {  	[tilespmem:v13+s22+$0x0] =	vst.idx.add.f32.msk $0xffff, v2  }
0x12f: {  	[tilespmem:v8+s21+$0x0] =	vst.idx.add.f32.msk $0xffff, v14  }
0x130: {  	[tilespmem:v8+s22+$0x0] =	vst.idx.add.f32.msk $0xffff, v1  }
0x131: {  	[tilespmem:v11+s22+$0x0] =	vst.idx.add.f32.msk $0xffff, v3  }
0x132: {  	v1 =	vld [tilespmem:s31+$0x90]  }
0x133: {  	v4 =	vld [tilespmem:s31+$0xB0]  }
0x134: {  	v2 =	vld [tilespmem:s31+$0xC0]  }
0x135: {  	v3 =	vld [tilespmem:s31+$0xA0]  }
0x136: {  	v6 =	vld [tilespmem:s31+$0x190]  }
0x137: {  	v5 =	vld [tilespmem:s31+$0xD0]  }
0x138: {  	v9 =	vld [tilespmem:s31+$0x1B0]  }
0x139: {  	v7 =	vld [tilespmem:s31+$0xE0]  }
0x13a: {  	v23 =	vld [tilespmem:s31+$0x1A0]  }
0x13b: {  	v21 =	vld [tilespmem:s31+$0x180]  }
0x13c: {  	v19 =	vld [tilespmem:s31+$0xF0]  }
0x13d: {  	v10 =	vld [tilespmem:s31+$0x1C0]  }
0x13e: {  	v26 =	vld [tilespmem:s31+$0x1F0]  }
0x13f: {  	v12 =	vld [tilespmem:s31+$0x80]  }
0x140: {  	v14 =	vld [tilespmem:s31+$0x130]  }
0x141: {  	v17 =	vld [tilespmem:s31+$0x140]  }
0x142: {  	v13 =	vld [tilespmem:s31+$0x0]  }
0x143: {  	v15 =	vld [tilespmem:s31+$0x170]  }
0x144: {  	v27 =	vld [tilespmem:s31+$0x1D0]  }
0x145: {  	v25 =	vld [tilespmem:s31+$0x1E0]  }
0x146: {  	v18 =	vld [tilespmem:s31+$0x50]  }
0x147: {  	v16 =	vand.u32 $0x1FFF, v13;
	v22 =	vld [tilespmem:s31+$0x60]  }
0x148: {  	v28 =	vld [tilespmem:s31+$0x160];
	v20 =	vand.u32 $0x1FFF, v15  }
0x149: {  	v29 =	vld [tilespmem:s31+$0x150]  }
0x14a: {  	v8 =	vld [tilespmem:s31+$0x10]  }
0x14b: {  	v11 =	vld [tilespmem:s31+$0x20]  }
0x14c: {  	v16 =	vld.idx.msk [tilespmem:v16+s3+$0x0], $0xffff  }
0x14d: {  	v24 =	vand.u32 $0x1FFF, v28;
	v20 =	vld.idx.msk [tilespmem:v20+s3+$0x0], $0xffff  }
0x14e: {  	v30 =	vld [tilespmem:s31+$0x120];
	v31 =	vand.u32 $0x1FFF, v29  }
0x14f: {  	v32 =	vld [tilespmem:s31+$0x110]  }
0x150: {  	v33 =	vld [tilespmem:s31+$0x100]  }
0x151: {  	v36 =	vand.u32 $0x1FFF, v17;
	v34 =	vshra.s32 v13, $0xD;
	v37 =	vshra.s32 v15, $0xD;
	v35 =	vld [tilespmem:s31+$0x70]  }
0x152: {  	v38 =	vand.u32 $0x1FFF, v14;
	v13 =	vunpack.i.u.bf16.f32 v16;
	v15 =	vunpack.i.l.bf16.f32 v16;
	v39 =	vld.idx.msk [tilespmem:v24+s3+$0x0], $0xffff  }
0x153: {  	v40 =	vmul.f32 v13, v12;
	v16 =	vunpack.i.l.bf16.f32 v20;
	v41 =	vand.u32 $0x1FFF, v30;
	v31 =	vld.idx.msk [tilespmem:v31+s3+$0x0], $0xffff  }
0x154: {  	v42 =	vunpack.i.u.bf16.f32 v20;
	v43 =	vmul.f32 v16, v26;
	v13 =	vld [tilespmem:s31+$0x40];
	v24 =	vand.u32 $0x1FFF, v32  }
0x155: {  	v12 =	vmul.f32 v15, v12;
	v16 =	vshra.s32 v14, $0xD;
	v15 =	vld [tilespmem:s31+$0x30];
	v44 =	vand.u32 $0x1FFF, v33  }
0x156: {  	v45 =	vshra.s32 v29, $0xD;
	v20 =	vshra.s32 v35, $0xD;
	v35 =	vand.u32 $0x1FFF, v35;
	v36 =	vld.idx.msk [tilespmem:v36+s3+$0x0], $0xffff  }
0x157: {  	v28 =	vshra.s32 v28, $0xD;
	v29 =	vand.u32 $0x1FFF, v22;
	v14 =	vshra.s32 v22, $0xD;
	[tilespmem:v34+s21+$0x0] =	vst.idx.add.f32.msk $0xffff, v12  }
0x158: {  	v12 =	vshra.s32 v18, $0xD;
	[tilespmem:v34+s22+$0x0] =	vst.idx.add.f32.msk $0xffff, v40;
	v34 =	vand.u32 $0x1FFF, v18;
	v40 =	vunpack.i.l.bf16.f32 v39  }
0x159: {  	v39 =	vunpack.i.u.bf16.f32 v39;
	v46 =	vand.u32 $0x1FFF, v13;
	v18 =	vld.idx.msk [tilespmem:v38+s3+$0x0], $0xffff;
	v38 =	vunpack.i.l.bf16.f32 v31  }
0x15a: {  	v22 =	vshra.s32 v33, $0xD;
	v33 =	vmul.f32 v39, v25;
	v47 =	vand.u32 $0x1FFF, v15;
	v44 =	vld.idx.msk [tilespmem:v44+s3+$0x0], $0xffff  }
0x15b: {  	v17 =	vshra.s32 v17, $0xD;
	v39 =	vand.u32 $0x1FFF, v11;
	v38 =	vmul.f32 v38, v27;
	v35 =	vld.idx.msk [tilespmem:v35+s3+$0x0], $0xffff  }
0x15c: {  	v48 =	vand.u32 $0x1FFF, v8;
	v40 =	vmul.f32 v40, v25;
	v49 =	vunpack.i.l.bf16.f32 v36;
	[tilespmem:v37+s21+$0x0] =	vst.idx.add.f32.msk $0xffff, v43  }
0x15d: {  	v26 =	vmul.f32 v42, v26;
	v25 =	vshra.s32 v32, $0xD;
	v31 =	vunpack.i.u.bf16.f32 v31;
	v32 =	vld.idx.msk [tilespmem:v41+s3+$0x0], $0xffff  }
0x15e: {  	v27 =	vmul.f32 v31, v27;
	[tilespmem:v28+s21+$0x0] =	vst.idx.add.f32.msk $0xffff, v40  }
0x15f: {  	v40 =	vmul.f32 v49, v10;
	[tilespmem:v37+s22+$0x0] =	vst.idx.add.f32.msk $0xffff, v26  }
0x160: {  	v31 =	vunpack.i.l.bf16.f32 v44;
	v37 =	vld.idx.msk [tilespmem:v29+s3+$0x0], $0xffff  }
0x161: {  	v29 =	vunpack.i.u.bf16.f32 v35;
	[tilespmem:v45+s21+$0x0] =	vst.idx.add.f32.msk $0xffff, v38  }
0x162: {  	v26 =	vld.idx.msk [tilespmem:v34+s3+$0x0], $0xffff;
	v34 =	vunpack.i.l.bf16.f32 v35  }
0x163: {  	v30 =	vshra.s32 v30, $0xD;
	v29 =	vmul.f32 v29, v19;
	v38 =	vunpack.i.l.bf16.f32 v32;
	[tilespmem:v28+s22+$0x0] =	vst.idx.add.f32.msk $0xffff, v33  }
0x164: {  	v33 =	vmul.f32 v34, v19;
	[tilespmem:v45+s22+$0x0] =	vst.idx.add.f32.msk $0xffff, v27  }
0x165: {  	v31 =	vmul.f32 v31, v21;
	v28 =	vunpack.i.u.bf16.f32 v32;
	v19 =	vld.idx.msk [tilespmem:v46+s3+$0x0], $0xffff  }
.Ltmp3:
0x166: {  	v34 =	vunpack.i.u.bf16.f32 v36;
	v35 =	vmul.f32 v28, v23;
	v41 =	vunpack.i.l.bf16.f32 v37;
	v27 =	vld.idx.msk [tilespmem:v47+s3+$0x0], $0xffff;
	(pc) =	sbr.rel @p1 .LBB2_10-.Ltmp3, $4  }
0x167: {  	v32 =	vunpack.i.u.bf16.f32 v44;
	v36 =	vmul.f32 v38, v23;
	v28 =	vunpack.i.u.bf16.f32 v37;
	[tilespmem:v17+s21+$0x0] =	vst.idx.add.f32.msk $0xffff, v40  }
0x168: {  	v32 =	vmul.f32 v32, v21;
	v23 =	vld.idx.msk [tilespmem:v39+s3+$0x0], $0xffff  }
0x169: {  	[tilespmem:v30+s21+$0x0] =	vst.idx.add.f32.msk $0xffff, v36  }
0x16a: {  	v36 =	vmul.f32 v41, v7;
	v21 =	vld.idx.msk [tilespmem:v48+s3+$0x0], $0xffff  }
0x16b: {  	_ =	sdelay $0x3  }
0x16c: {  	v24 =	vld.idx.msk [tilespmem:v24+s3+$0x0], $0xffff  }
0x16d: {  	[tilespmem:v30+s22+$0x0] =	vst.idx.add.f32.msk $0xffff, v35  }
0x16e: {  	[tilespmem:v20+s21+$0x0] =	vst.idx.add.f32.msk $0xffff, v33  }
0x16f: {  	[tilespmem:v22+s21+$0x0] =	vst.idx.add.f32.msk $0xffff, v31  }
0x170: {  	[tilespmem:v14+s21+$0x0] =	vst.idx.add.f32.msk $0xffff, v36  }
0x171: {  	v10 =	vmul.f32 v34, v10;
	[tilespmem:v20+s22+$0x0] =	vst.idx.add.f32.msk $0xffff, v29  }
0x172: {  	v40 =	vunpack.i.l.bf16.f32 v18;
	v7 =	vmul.f32 v28, v7;
	[tilespmem:v22+s22+$0x0] =	vst.idx.add.f32.msk $0xffff, v32  }
0x173: {  	v50 =	vunpack.i.l.bf16.f32 v26;
	v42 =	vmul.f32 v40, v9;
	[tilespmem:v17+s22+$0x0] =	vst.idx.add.f32.msk $0xffff, v10  }
0x174: {  	v41 =	vunpack.i.u.bf16.f32 v18;
	v46 =	vshra.s32 v13, $0xD;
	v51 =	vmul.f32 v50, v5;
	[tilespmem:v14+s22+$0x0] =	vst.idx.add.f32.msk $0xffff, v7  }
0x175: {  	v11 =	vshra.s32 v11, $0xD;
	v56 =	vunpack.i.u.bf16.f32 v26;
	v43 =	vmul.f32 v41, v9;
	[tilespmem:v16+s21+$0x0] =	vst.idx.add.f32.msk $0xffff, v42  }
0x176: {  	v48 =	vunpack.i.l.bf16.f32 v19;
	v49 =	vshra.s32 v15, $0xD;
	v58 =	vmul.f32 v56, v5;
	[tilespmem:v12+s21+$0x0] =	vst.idx.add.f32.msk $0xffff, v51  }
0x177: {  	v13 =	vmul.f32 v48, v2;
	v52 =	vunpack.i.l.bf16.f32 v23;
	[tilespmem:v16+s22+$0x0] =	vst.idx.add.f32.msk $0xffff, v43  }
0x178: {  	v54 =	vunpack.i.l.bf16.f32 v27;
	v53 =	vmul.f32 v52, v3;
	[tilespmem:v12+s22+$0x0] =	vst.idx.add.f32.msk $0xffff, v58  }
0x179: {  	v55 =	vunpack.i.u.bf16.f32 v27;
	v8 =	vshra.s32 v8, $0xD;
	v14 =	vmul.f32 v54, v4;
	[tilespmem:v46+s21+$0x0] =	vst.idx.add.f32.msk $0xffff, v13  }
0x17a: {  	v59 =	vunpack.i.u.bf16.f32 v19;
	v57 =	vmul.f32 v55, v4;
	[tilespmem:v11+s21+$0x0] =	vst.idx.add.f32.msk $0xffff, v53  }
0x17b: {  	v2 =	vmul.f32 v59, v2;
	v60 =	vunpack.i.l.bf16.f32 v21;
	[tilespmem:v49+s21+$0x0] =	vst.idx.add.f32.msk $0xffff, v14  }
0x17c: {  	v44 =	vunpack.i.l.bf16.f32 v24;
	v62 =	vmul.f32 v60, v1;
	[tilespmem:v49+s22+$0x0] =	vst.idx.add.f32.msk $0xffff, v57  }
0x17d: {  	v61 =	vunpack.i.u.bf16.f32 v21;
	v18 =	vmul.f32 v44, v6;
	[tilespmem:v46+s22+$0x0] =	vst.idx.add.f32.msk $0xffff, v2  }
.Ltmp4:
0x17e: {  	v63 =	vunpack.i.u.bf16.f32 v23;
	v1 =	vmul.f32 v61, v1;
	[tilespmem:v8+s21+$0x0] =	vst.idx.add.f32.msk $0xffff, v62;
	(pc) =	sbr.rel @p0 .LBB2_12-.Ltmp4, $4  }
0x17f: {  	v45 =	vunpack.i.u.bf16.f32 v24;
	v2 =	vmul.f32 v63, v3;
	[tilespmem:v25+s21+$0x0] =	vst.idx.add.f32.msk $0xffff, v18  }
0x180: {  	v47 =	vmul.f32 v45, v6;
	[tilespmem:v8+s22+$0x0] =	vst.idx.add.f32.msk $0xffff, v1  }
0x181: {  	[tilespmem:v11+s22+$0x0] =	vst.idx.add.f32.msk $0xffff, v2  }
0x182: {  	[tilespmem:v25+s22+$0x0] =	vst.idx.add.f32.msk $0xffff, v47  }
.Ltmp5:
0x183: {  	(pc) =	sbr.rel .LBB2_7-.Ltmp5, $3  }
0x184: {  	_ =	sdelay $0x1  }
0x185: {  	s0 =	sadd.s32 s30, s11;
	s29 =	sadd.s32 $0x1, s29  }
0x186: {  	[tilespmem:s16], [sflag:$0x2] =	stream.linear.gather [hbm4b:s0+s3], $0x4000, $0x38;
	[tilespmem:$0xC400] =	vst v63  }
.LBB2_12:
0x187: {  	s0 =	simm.s32 $0x2420  }
0x188: {  	v1 =	vld [tilespmem:s0+$0x0]  }
0x189: {  	s13 =	simm.s32 $0x1420;
	v2 =	vld [tilespmem:s0+$0xFFFFFFF0]  }
0x18a: {  	v3 =	vld [tilespmem:s13+$0xFFFFFFF0]  }
0x18b: {  	v4 =	vld [tilespmem:s13+$0x0]  }
0x18c: {  	v5 =	vld [tilespmem:s13+$0xFFFFFFE0]  }
0x18d: {  	v6 =	vld [tilespmem:s13+$0x10];
	v1 =	vadd.f32 v1, v1  }
0x18e: {  	v7 =	vld [tilespmem:s0+$0xFFFFFFE0];
	v2 =	vadd.f32 v2, v2  }
0x18f: {  	v3 =	vadd.f32 v3, v3;
	v1 =	vmul.f32 $1.442695020e+00, v1  }
0x190: {  	v8 =	vld [tilespmem:s0+$0x10];
	v4 =	vadd.f32 v4, v4;
	v2 =	vmul.f32 $1.442695020e+00, v2  }
0x191: {  	v5 =	vadd.f32 v5, v5;
	v3 =	vmul.f32 $1.442695020e+00, v3;
	(erf) = vpow2.f32 v1  }
0x192: {  	v4 =	vmul.f32 $1.442695020e+00, v4;
	v1 =	vadd.f32 v6, v6;
	(erf) = vpow2.f32 v2  }
0x193: {  	v5 =	vmul.f32 $1.442695020e+00, v5;
	v2 =	vadd.f32 v7, v7;
	(erf) = vpow2.f32 v3  }
0x194: {  	v1 =	vmul.f32 $1.442695020e+00, v1;
	(erf) = vpow2.f32 v4  }
0x195: {  	s29 =	simm.s32 $0x2460;
	v3 =	vadd.f32 v8, v8;
	v2 =	vmul.f32 $1.442695020e+00, v2;
	(erf) = vpow2.f32 v5  }
0x196: {  	(erf) = vpow2.f32 v1;
	v1 =	vld [tilespmem:s29+$0x0]  }
0x197: {  	v3 =	vmul.f32 $1.442695020e+00, v3;
	(erf) = vpow2.f32 v2;
	v2 =	vld [tilespmem:s29+$0xFFFFFFF0]  }
0x198: {  	s1 =	simm.s32 $0x1460  }
0x199: {  	v8 =	vld [tilespmem:s1+$0xFFFFFFE0];
	(erf) = vpow2.f32 v3  }
0x19a: {  	v3 =	vld [tilespmem:s1+$0xFFFFFFF0];
	v4 =	vpop (erf)  }
0x19b: {  	v5 =	vld [tilespmem:s1+$0x0];
	v6 =	vpop (erf)  }
0x19c: {  	v1 =	vadd.f32 v1, v1;
	v7 =	vpop (erf);
	v2 =	vadd.f32 v2, v2  }
0x19d: {  	v7 =	vadd.f32 $1.000000000e+00, v7  }
0x19e: {  	v11 =	vld [tilespmem:s1+$0x10];
	v9 =	vpop (erf);
	v1 =	vmul.f32 $1.442695020e+00, v1;
	v2 =	vmul.f32 $1.442695020e+00, v2  }
0x19f: {  	v8 =	vadd.f32 v8, v8;
	v3 =	vadd.f32 v3, v3;
	v10 =	vpop (erf);
	(erf) = vrcp.f32 v7;
	v7 =	vld [tilespmem:s29+$0xFFFFFFE0]  }
0x1a0: {  	v5 =	vadd.f32 v5, v5;
	v12 =	vpop (erf);
	(erf) = vpow2.f32 v1;
	v1 =	vld [tilespmem:s29+$0x10]  }
0x1a1: {  	v8 =	vmul.f32 $1.442695020e+00, v8;
	v3 =	vmul.f32 $1.442695020e+00, v3;
	v13 =	vpop (erf)  }
0x1a2: {  	v5 =	vmul.f32 $1.442695020e+00, v5;
	(erf) = vpow2.f32 v2;
	v2 =	vpop (erf)  }
0x1a3: {  	(erf) = vpow2.f32 v3;
	v3 =	vadd.f32 $1.000000000e+00, v6;
	v2 =	vadd.f32 $1.000000000e+00, v2  }
0x1a4: {  	v6 =	vadd.f32 v11, v11;
	(erf) = vpow2.f32 v5;
	v5 =	vadd.f32 $1.000000000e+00, v12  }
0x1a5: {  	s4 =	simm.s32 $0x14A0;
	(erf) = vrcp.f32 v2;
	v2 =	vadd.f32 v7, v7;
	v1 =	vadd.f32 v1, v1  }
0x1a6: {  	s31 =	simm.s32 $0x24A0;
	v7 =	vadd.f32 $1.000000000e+00, v13;
	(erf) = vrcp.f32 v5;
	v5 =	vmul.f32 $1.442695020e+00, v6;
	v6 =	vld [tilespmem:s4+$0xFFFFFFF0]  }
0x1a7: {  	(erf) = vpow2.f32 v8;
	v2 =	vmul.f32 $1.442695020e+00, v2;
	v8 =	vld [tilespmem:s31+$0xFFFFFFF0]  }
0x1a8: {  	v12 =	vld [tilespmem:s31+$0x0];
	v11 =	vmul.f32 $1.442695020e+00, v1;
	(erf) = vrcp.f32 v7  }
0x1a9: {  	v7 =	vadd.f32 $1.000000000e+00, v4;
	v1 =	vpop (erf);
	(erf) = vrcp.f32 v3;
	v3 =	vadd.f32 $1.000000000e+00, v9;
	v9 =	vld [tilespmem:s4+$0x10]  }
0x1aa: {  	v4 =	vpop (erf);
	(erf) = vpow2.f32 v5;
	v1 =	vadd.f32 v1, v1;
	v5 =	vadd.f32 $1.000000000e+00, v10;
	v10 =	vld [tilespmem:s4+$0x0]  }
0x1ab: {  	v13 =	vld [tilespmem:s31+$0xFFFFFFE0];
	v4 =	vadd.f32 $1.000000000e+00, v4;
	(erf) = vpow2.f32 v2;
	v2 =	vpop (erf);
	v6 =	vadd.f32 v6, v6  }
0x1ac: {  	v14 =	vpop (erf);
	v1 =	vsub.f32 $1.000000000e+00, v1;
	(erf) = vrcp.f32 v7;
	v8 =	vadd.f32 v8, v8  }
0x1ad: {  	v7 =	vld [tilespmem:s4+$0xFFFFFFE0];
	v2 =	vadd.f32 $1.000000000e+00, v2;
	v15 =	vpop (erf);
	(erf) = vpow2.f32 v11;
	v16 =	vmul.f32 $1.442695020e+00, v6  }
0x1ae: {  	v6 =	vadd.f32 v12, v12;
	v11 =	vld [tilespmem:s31+$0x10];
	(erf) = vrcp.f32 v5;
	v12 =	vpop (erf);
	v17 =	vmul.f32 $1.442695020e+00, v8  }
0x1af: {  	v5 =	vadd.f32 v9, v9;
	(erf) = vrcp.f32 v3;
	v3 =	vpop (erf);
	v8 =	vadd.f32 v10, v10  }
0x1b0: {  	v10 =	vmul.f32 $1.442695020e+00, v6;
	v6 =	vadd.f32 v13, v13;
	v13 =	vadd.f32 $1.000000000e+00, v14;
	v18 =	vpop (erf)  }
0x1b1: {  	v20 =	vadd.f32 v12, v12;
	v3 =	vadd.f32 v3, v3;
	v19 =	vpop (erf)  }
0x1b2: {  	v5 =	vmul.f32 $1.442695020e+00, v5;
	v7 =	vadd.f32 v7, v7;
	v14 =	vmul.f32 $1.442695020e+00, v8;
	v12 =	vpop (erf)  }
0x1b3: {  	v9 =	vmul.f32 $1.442695020e+00, v6;
	(erf) = vrcp.f32 v13;
	v6 =	vadd.f32 v11, v11;
	v21 =	vpop (erf)  }
0x1b4: {  	v8 =	vsub.f32 $1.000000000e+00, v3;
	(erf) = vpow2.f32 v10;
	v3 =	vadd.f32 $1.000000000e+00, v15;
	v22 =	vpop (erf)  }
0x1b5: {  	v11 =	vmul.f32 $1.442695020e+00, v7;
	v13 =	vadd.f32 v12, v12;
	(erf) = vpow2.f32 v17;
	v10 =	vpop (erf)  }
0x1b6: {  	v7 =	vadd.f32 $1.000000000e+00, v18;
	(erf) = vpow2.f32 v16;
	v18 =	vadd.f32 $1.000000000e+00, v21;
	v15 =	vpop (erf)  }
0x1b7: {  	[tilespmem:s13+$0xFFFFFFF0] =	vst v1;
	(erf) = vpow2.f32 v14;
	v14 =	vsub.f32 $1.000000000e+00, v13;
	v15 =	vadd.f32 $1.000000000e+00, v15  }
0x1b8: {  	v6 =	vmul.f32 $1.442695020e+00, v6;
	[tilespmem:s13+$0x10] =	vst v8;
	v12 =	vadd.f32 v10, v10;
	v10 =	vsub.f32 $1.000000000e+00, v20;
	v16 =	vpop (erf)  }
0x1b9: {  	s30 =	simm.s32 $0x20;
	s15 =	simm.s32 $0x8;
	s12 =	simm.s32 $0x60;
	v17 =	vadd.f32 $1.000000000e+00, v22;
	[tilespmem:s0+$0xFFFFFFF0] =	vst v14;
	v63 =	vpop (erf);
	v13 =	vadd.f32 v16, v16;
	(erf) = vrcp.f32 v15  }
0x1ba: {  	s19 =	simm.s32 $0x24E0;
	s2 =	simm.s32 $0x14E0;
	s24 =	simm.s32 $0x60;
	[tilespmem:s0+$0x10] =	vst v10;
	v15 =	vadd.f32 v19, v19;
	v16 =	vadd.f32 v63, v63;
	(erf) = vrcp.f32 v18  }
.LBB2_13:
0x1bb: {  	v18 =	vld [tilespmem:s2+$0xFFFFFFF0];
	s15 =	sadd.s32 $0x4, s15;
	(erf) = vpow2.f32 v11;
	s12 =	sadd.s32 $0x40, s12;
	v1 =	vpack.i.f32.bf16 v14, v1;
	v11 =	vsub.f32 $1.000000000e+00, v12  }
0x1bc: {  	v14 =	vsub.f32 $1.000000000e+00, v15;
	v12 =	vld [tilespmem:s19+$0xFFFFFFF0];
	p0 =	slt.u32 s15, $0xFC;
	(erf) = vrcp.f32 v17;
	[tilespmem:s30+$0xFFFFFFF0] =	vst v1;
	v1 =	vsub.f32 $1.000000000e+00, v16  }
0x1bd: {  	v8 =	vpack.i.f32.bf16 v10, v8;
	v15 =	vld [tilespmem:s19+$0x0];
	v16 =	vpop (erf);
	(erf) = vrcp.f32 v2;
	v2 =	vsub.f32 $1.000000000e+00, v13  }
0x1be: {  	v10 =	vld [tilespmem:s2+$0x10];
	v13 =	vpop (erf);
	(erf) = vpow2.f32 v5;
	v5 =	vadd.f32 v16, v16;
	[tilespmem:s13+$0x0] =	vst v1;
	v16 =	vpack.i.f32.bf16 v11, v1  }
0x1bf: {  	v17 =	vld [tilespmem:s2+$0x0];
	v19 =	vadd.f32 $1.000000000e+00, v13;
	(erf) = vpow2.f32 v9;
	v9 =	vpop (erf);
	[tilespmem:s13+$0xFFFFFFE0] =	vst v2;
	v13 =	vpack.i.f32.bf16 v14, v2;
	s13 =	smov.u32 s1;
	s1 =	smov.u32 s4;
	s4 =	smov.u32 s2  }
0x1c0: {  	v20 =	vld [tilespmem:s19+$0xFFFFFFE0];
	v18 =	vadd.f32 v18, v18;
	v21 =	vpop (erf);
	v1 =	vsub.f32 $1.000000000e+00, v5;
	(erf) = vrcp.f32 v4;
	[tilespmem:s30+$0x10] =	vst v8  }
0x1c1: {  	v2 =	vadd.f32 $1.000000000e+00, v9;
	v4 =	vld [tilespmem:s2+$0xFFFFFFE0];
	v5 =	vadd.f32 v12, v12;
	v12 =	vpop (erf);
	(erf) = vpow2.f32 v6;
	[tilespmem:s0+$0x0] =	vst v11  }
0x1c2: {  	v18 =	vmul.f32 $1.442695020e+00, v18;
	v6 =	vadd.f32 v15, v15;
	v8 =	vld [tilespmem:s19+$0x10];
	(erf) = vrcp.f32 v7;
	v7 =	vpop (erf);
	[tilespmem:s30+$0x0] =	vst v16  }
0x1c3: {  	v15 =	vmul.f32 $1.442695020e+00, v5;
	v5 =	vadd.f32 v10, v10;
	(erf) = vrcp.f32 v3;
	v3 =	vpop (erf);
	[tilespmem:s0+$0xFFFFFFE0] =	vst v14;
	s0 =	smov.u32 s29;
	s29 =	smov.u32 s31;
	s31 =	smov.u32 s19  }
0x1c4: {  	v9 =	vadd.f32 v17, v17;
	v10 =	vmul.f32 $1.442695020e+00, v6;
	v14 =	vpop (erf);
	v3 =	vadd.f32 v3, v3;
	[tilespmem:s30+$0xFFFFFFE0] =	vst v13;
	s30 =	smov.u32 s24;
	s24 =	smov.u32 s12  }
0x1c5: {  	v13 =	vadd.f32 $1.000000000e+00, v21;
	v6 =	vadd.f32 v20, v20;
	v5 =	vmul.f32 $1.442695020e+00, v5;
	v16 =	vpop (erf)  }
0x1c6: {  	v20 =	vadd.f32 v7, v7;
	v4 =	vadd.f32 v4, v4;
	v17 =	vmul.f32 $1.442695020e+00, v9;
	v7 =	vpop (erf)  }
0x1c7: {  	v9 =	vmul.f32 $1.442695020e+00, v6;
	v6 =	vadd.f32 v8, v8;
	v21 =	vpop (erf);
	v8 =	vsub.f32 $1.000000000e+00, v3  }
0x1c8: {  	v11 =	vmul.f32 $1.442695020e+00, v4;
	v22 =	vpop (erf);
	(erf) = vrcp.f32 v13;
	v4 =	vadd.f32 v7, v7  }
0x1c9: {  	v3 =	vadd.f32 $1.000000000e+00, v12;
	v6 =	vmul.f32 $1.442695020e+00, v6;
	(erf) = vpow2.f32 v10;
	[tilespmem:s13+$0x10] =	vst v8;
	v10 =	vpop (erf)  }
.Ltmp6:
0x1ca: {  	v7 =	vadd.f32 $1.000000000e+00, v14;
	(erf) = vpow2.f32 v15;
	v13 =	vpop (erf);
	v12 =	vadd.f32 v10, v10;
	(pc) =	sbr.rel @p0 .LBB2_13-.Ltmp6, $4  }
0x1cb: {  	v10 =	vsub.f32 $1.000000000e+00, v20;
	(erf) = vpow2.f32 v18;
	v13 =	vadd.f32 $1.000000000e+00, v13;
	[tilespmem:s13+$0xFFFFFFF0] =	vst v1;
	v15 =	vpop (erf)  }
0x1cc: {  	v14 =	vsub.f32 $1.000000000e+00, v4;
	v18 =	vadd.f32 $1.000000000e+00, v21;
	(erf) = vpow2.f32 v17;
	v20 =	vpop (erf)  }
0x1cd: {  	v4 =	vmovc v19;
	(erf) = vrcp.f32 v13;
	v13 =	vadd.f32 v15, v15;
	v15 =	vadd.f32 v16, v16;
	[tilespmem:s0+$0x10] =	vst v10  }
0x1ce: {  	s2 =	sadd.s32 $0x40, s2;
	s19 =	sadd.s32 $0x40, s19;
	v17 =	vadd.f32 $1.000000000e+00, v22;
	v16 =	vadd.f32 v20, v20;
	(erf) = vrcp.f32 v18;
	[tilespmem:s0+$0xFFFFFFF0] =	vst v14  }
0x1cf: {  	(erf) = vpow2.f32 v11  }
0x1d0: {  	(erf) = vrcp.f32 v17  }
0x1d1: {  	v37 =	vpop (erf);
	(erf) = vrcp.f32 v2  }
0x1d2: {  	v2 =	vpop (erf);
	(erf) = vpow2.f32 v5  }
0x1d3: {  	(erf) = vpow2.f32 v9;
	v38 =	vpop (erf)  }
0x1d4: {  	v39 =	vpop (erf);
	(erf) = vrcp.f32 v4  }
0x1d5: {  	v40 =	vpop (erf);
	(erf) = vpow2.f32 v6  }
0x1d6: {  	v41 =	vpop (erf)  }
0x1d7: {  	v42 =	vpop (erf)  }
0x1d8: {  	v18 =	vpop (erf)  }
0x1d9: {  	v1 =	vpack.i.f32.bf16 v14, v1;
	(erf) = vrcp.f32 v7;
	v19 =	vpop (erf)  }
0x1da: {  	v12 =	vsub.f32 $1.000000000e+00, v12;
	(erf) = vrcp.f32 v3;
	v43 =	vpop (erf)  }
0x1db: {  	v13 =	vsub.f32 $1.000000000e+00, v13;
	v8 =	vpack.i.f32.bf16 v10, v8;
	[tilespmem:s30+$0xFFFFFFF0] =	vst v1;
	v45 =	vadd.f32 v37, v37;
	v3 =	vpop (erf)  }
0x1dc: {  	v15 =	vsub.f32 $1.000000000e+00, v15;
	v44 =	vsub.f32 $1.000000000e+00, v16;
	[tilespmem:s30+$0x10] =	vst v8;
	v1 =	vpop (erf)  }
0x1dd: {  	[tilespmem:s13+$0xFFFFFFE0] =	vst v13;
	v2 =	vadd.f32 $1.000000000e+00, v2;
	v10 =	vsub.f32 $1.000000000e+00, v45;
	v46 =	vpop (erf)  }
0x1de: {  	v13 =	vpack.i.f32.bf16 v15, v13;
	[tilespmem:s13+$0x0] =	vst v44;
	v47 =	vadd.f32 $1.000000000e+00, v39;
	v49 =	vadd.f32 v42, v42;
	v48 =	vpop (erf)  }
0x1df: {  	v14 =	vpack.i.f32.bf16 v12, v44;
	[tilespmem:s0+$0xFFFFFFE0] =	vst v15;
	v6 =	vadd.f32 v41, v41;
	v9 =	vadd.f32 $1.000000000e+00, v48  }
0x1e0: {  	[tilespmem:s0+$0x0] =	vst v12;
	(erf) = vrcp.f32 v47;
	v50 =	vsub.f32 $1.000000000e+00, v49;
	v3 =	vadd.f32 $1.000000000e+00, v3  }
0x1e1: {  	[tilespmem:s30+$0xFFFFFFE0] =	vst v13;
	v6 =	vsub.f32 $1.000000000e+00, v6;
	v1 =	vadd.f32 $1.000000000e+00, v1;
	(erf) = vrcp.f32 v9  }
0x1e2: {  	v5 =	vadd.f32 $1.000000000e+00, v38;
	v4 =	vadd.f32 $1.000000000e+00, v40;
	[tilespmem:s1+$0x10] =	vst v50;
	v51 =	vpop (erf);
	(erf) = vrcp.f32 v3  }
0x1e3: {  	[tilespmem:s29+$0x10] =	vst v6;
	v6 =	vpack.i.f32.bf16 v6, v50;
	v52 =	vpop (erf);
	v3 =	vadd.f32 v43, v43;
	(erf) = vrcp.f32 v1  }
0x1e4: {  	[tilespmem:s30+$0x0] =	vst v14;
	v53 =	vadd.f32 v52, v52;
	v1 =	vadd.f32 $1.000000000e+00, v18;
	(erf) = vrcp.f32 v5  }
0x1e5: {  	[tilespmem:s1+$0xFFFFFFF0] =	vst v10;
	v3 =	vsub.f32 $1.000000000e+00, v3;
	(erf) = vrcp.f32 v2;
	v2 =	vadd.f32 v51, v51  }
0x1e6: {  	v54 =	vadd.f32 v46, v46;
	[tilespmem:s24+$0x10] =	vst v6;
	(erf) = vrcp.f32 v1  }
0x1e7: {  	[tilespmem:s29+$0xFFFFFFF0] =	vst v3;
	v1 =	vpack.i.f32.bf16 v3, v10;
	v3 =	vsub.f32 $1.000000000e+00, v53;
	(erf) = vrcp.f32 v4  }
0x1e8: {  	[tilespmem:s24+$0xFFFFFFF0] =	vst v1;
	v1 =	vsub.f32 $1.000000000e+00, v2;
	v4 =	vsub.f32 $1.000000000e+00, v54  }
0x1e9: {  	v55 =	vadd.f32 v19, v19;
	[tilespmem:s1+$0x0] =	vst v3;
	v2 =	vpop (erf)  }
0x1ea: {  	[tilespmem:s1+$0xFFFFFFE0] =	vst v1;
	v3 =	vpack.i.f32.bf16 v4, v3;
	v56 =	vpop (erf)  }
0x1eb: {  	v5 =	vsub.f32 $1.000000000e+00, v55;
	[tilespmem:s29+$0x0] =	vst v4;
	v2 =	vadd.f32 v2, v2;
	v57 =	vpop (erf)  }
0x1ec: {  	[tilespmem:s24+$0x0] =	vst v3;
	v58 =	vadd.f32 v57, v57;
	v59 =	vpop (erf)  }
0x1ed: {  	v1 =	vpack.i.f32.bf16 v5, v1;
	[tilespmem:s29+$0xFFFFFFE0] =	vst v5;
	v60 =	vadd.f32 v56, v56;
	v2 =	vsub.f32 $1.000000000e+00, v2;
	v3 =	vpop (erf)  }
0x1ee: {  	[tilespmem:s24+$0xFFFFFFE0] =	vst v1;
	v4 =	vsub.f32 $1.000000000e+00, v58;
	v61 =	vpop (erf);
	v1 =	vadd.f32 v3, v3  }
0x1ef: {  	v5 =	vsub.f32 $1.000000000e+00, v60;
	[tilespmem:s4+$0xFFFFFFF0] =	vst v2;
	v3 =	vpop (erf)  }
0x1f0: {  	[tilespmem:s4+$0x10] =	vst v4;
	v62 =	vpop (erf);
	v1 =	vsub.f32 $1.000000000e+00, v1  }
0x1f1: {  	v8 =	vadd.f32 v62, v62;
	[tilespmem:s31+$0x10] =	vst v5  }
0x1f2: {  	s24 =	sadd.s32 $0x40, s12;
	v3 =	vadd.f32 v3, v3;
	v4 =	vpack.i.f32.bf16 v5, v4;
	[tilespmem:s31+$0xFFFFFFF0] =	vst v1  }
0x1f3: {  	v7 =	vadd.f32 v61, v61;
	v1 =	vpack.i.f32.bf16 v1, v2;
	[tilespmem:s24+$0x10] =	vst v4;
	v2 =	vsub.f32 $1.000000000e+00, v8  }
0x1f4: {  	[tilespmem:s24+$0xFFFFFFF0] =	vst v1;
	v1 =	vsub.f32 $1.000000000e+00, v3  }
0x1f5: {  	v63 =	vsub.f32 $1.000000000e+00, v7;
	v3 =	vadd.f32 v59, v59;
	[tilespmem:s4+$0x0] =	vst v2  }
0x1f6: {  	s29 =	sshll.u32 s28, $0xF;
	[tilespmem:s4+$0xFFFFFFE0] =	vst v1  }
0x1f7: {  	s1 =	sadd.s32 s7, s29;
	v3 =	vsub.f32 $1.000000000e+00, v3;
	v2 =	vpack.i.f32.bf16 v63, v2;
	[tilespmem:s31+$0x0] =	vst v63  }
0x1f8: {  	s1 =	sor.u32 s26, s1;
	[tilespmem:s24+$0x0] =	vst v2  }
0x1f9: {  	s2 =	rddreg [dreg:$0x2];
	s1 =	sshrl.u32 s1, $0x3;
	v1 =	vpack.i.f32.bf16 v3, v1;
	[tilespmem:s31+$0xFFFFFFE0] =	vst v3  }
0x1fa: {  	s30 =	sadd.s32 s2, s1;
	[tilespmem:s24+$0xFFFFFFE0] =	vst v1  }
0x1fb: {  	[hbm4b:s30+s17] =	stream.strided.scatter [tilespmem:s21], [sflag:$0x3], $0x1000, s18, s17, $0x38;
	[tilespmem:$0xC400] =	vst v63  }
0x1fc: {  	s25 =	sadd.s32 $0x1, s25;
	_ =	swait.ge [sflag:s14], $0x1000  }
0x1fd: {  	p0 =	sne.s32 s25, $0x80;
	s31 =	sor.u32 $0x10000, s1;
	[sflag:s14] =	ssyncset.done $0x0  }
.Ltmp7:
0x1fe: {  	s0 =	sadd.s32 s2, s31;
	[sflag:s14] =	ssyncadd.s32 $0xFFFFF000;
	(pc) =	sbr.rel @p0 .LBB2_4-.Ltmp7, $4  }
0x1ff: {  	[hbm4b:s0+s17] =	stream.strided.scatter [tilespmem:s22], [sflag:$0x3], $0x1000, s18, s17, $0x38;
	[tilespmem:$0xC400] =	vst v63  }
0x200: {  	_ =	swait.ge [sflag:s14], $0x1000  }
0x201: {  	[sflag:s14] =	ssyncset.done $0x0  }
0x202: {  	[sflag:s14] =	ssyncadd.s32 $0xFFFFF000  }
0x203: {  	s1 =	rddreg [dreg:$0x5]  }
0x204: {  	s0 =	rddreg [dreg:$0x4];
	s1 =	sadd.s32 $0x1, s1  }
0x205: {  	p0 =	sne.s32 s1, s0  }
.Ltmp8:
0x206: {  	_ = 	snop;
	(pc) =	sbr.rel @p0 .LBB2_1-.Ltmp8, $1  }
0x207: {  	_ =	sdelay $0x3  }
0x208: {  	_ =	sfence.sel $0x180000  }
0x209: {  	[bflag:$0x0] =	sbarrier.arrive $0xFFFF  }
0x20a: {  	_ =	strace $0x90000047  }
0x20b: {  	s0 =	stileid.u32;
	[bflag:$0x2] =	sbarrier.arrive $0xFFFF  }
0x20c: {  	p0 =	sne.s32 s0, $0x0;
	s0 =	rddreg [dreg:$0x3]  }
0x20d: {  	s0 =	sadd.s32 @!p0 $0x100000, s0  }
0x20e: {  	[sflag:s0] =	ssyncadd.tile.s32 @!p0 $0x1;
	_ =	shalt  }
.Lfunc_end2:
_tile_overlayer_lowered:
.L_overlay_start_2:
0x20f: {  	(tag) =	ssettag $0x2  }
0x210: {  	s0 =	rddreg [dreg:$0x0];
	s2 =	stileid.u32  }
0x211: {  	s1 =	rddreg [dreg:$0x1];
	p0 =	sne.s32 s2, $0x0  }
0x212: {  	s3 =	rddreg [dreg:$0x2];
	[bflag:$0x3] =	sbarrier.arrive $0xFFFF;
	s2 =	simm.s32 @!p0 $0x1C03  }
0x213: {  	[timem:s3], [sflag:s2] =	dma.local @!p0 [hbm:s0], s1  }
0x214: {  	s0 =	simm.s32 @!p0 $0x3  }
0x215: {  	_ =	swait.ge @!p0 [sflag:s0], s1  }
0x216: {  	s1 =	ssub.s32 @!p0 $0x0, s1;
	[sflag:s0] =	ssyncset.done @!p0 $0x0  }
0x217: {  	[sflag:s0] =	ssyncadd.s32 @!p0 s1  }
0x218: {  	[bflag:$0x3] =	sbarrier.arrive $0xFFFF  }
0x219: {  	_ =	shalt  }

</sc_bundles>
